<compile_context>
chip_gen: v7x
topology: tpu7x:2x2x1
jax: 0.10.2.dev20260603
libtpu: 0.0.44.dev20260713+nightly
codegen_flags: <defaults>
</compile_context>

<pallas_src>
import functools

import jax
import jax.numpy as jnp
from jax import lax
from jax.experimental import pallas as pl
from jax.experimental.pallas import tpu as pltpu
from jax.experimental.pallas import tpu_sc as plsc

_HEADS = 16
_N = 2048
_QROWS = 128
_NQ = _N // _QROWS
_W8 = 4352
_WA = 4096

_NW = 32
_PER_W = 160
_VT = _NW * _PER_W


def _sc_gather_kernel(table_ref, out_ref, idx_ref, rows_ref, sem):
    wid = lax.axis_index("s") * 2 + lax.axis_index("c")
    base = wid * _PER_W
    for c in range(2):
        for jj in range(5):
            m = base + 80 * c + 16 * jj + lax.iota(jnp.int32, 16)
            n = 2303 - m
            ret = jnp.where(n < 0, 16, 0)
            na = jnp.abs(n)
            bits = lax.bitcast_convert_type(na.astype(jnp.float32), jnp.int32)
            e2 = ((bits >> 23) - 127) * 2
            frac_hi = jnp.where((bits & 0x7FFFFF) >= 3474676, 1, 0)
            val_large = jnp.minimum(2 + e2 + frac_hi, 15)
            idx_ref[c, 16 * jj : 16 * (jj + 1)] = ret + jnp.where(
                na < 8, na, val_large
            )
    copies = [
        pltpu.async_copy(table_ref.at[idx_ref.at[c]], rows_ref.at[c], sem)
        for c in range(2)
    ]
    for cp in copies:
        cp.wait()
    for c in range(2):
        pltpu.sync_copy(
            rows_ref.at[c], out_ref.at[pl.ds(base + 80 * c, 80)]
        )


def _sc_gather(table):
    run = pl.kernel(
        _sc_gather_kernel,
        mesh=plsc.VectorSubcoreMesh(core_axis_name="c", subcore_axis_name="s"),
        out_type=jax.ShapeDtypeStruct((_VT, 128), jnp.float32),
        scratch_types=[
            pltpu.VMEM((2, 80), jnp.int32),
            pltpu.VMEM((2, 80, 128), jnp.float32),
            pltpu.SemaphoreType.DMA,
        ],
    )
    return run(table)


def _fill_kernel(vtt_ref, out_ref, v8_ref, va_ref, sem_ref):
    h = pl.program_id(0)
    p = jax.lax.rem(h, 2)

    def _copy(src_parity, head, q):
        start = 1920 - _QROWS * q
        return pltpu.make_async_copy(
            va_ref.at[src_parity, :, start : start + _N],
            out_ref.at[head, pl.ds(_QROWS * q, _QROWS), :],
            sem_ref.at[src_parity],
        )

    @pl.when(h >= 2)
    def _drain_prev():
        for q in range(_NQ):
            _copy(p, h - 2, q).wait()

    for s in range(8):
        v8_ref[s : s + 1, :] = vtt_ref[0, 0:1, 128 - s : 128 - s + _W8]

    for k in range(_QROWS // 8):
        off = 255 - 8 * k
        va_ref[p, 8 * k : 8 * (k + 1), :] = v8_ref[:, off : off + _WA]

    for q in range(_NQ):
        _copy(p, h, q).start()

    @pl.when(h == _HEADS - 1)
    def _drain_tail():
        for q in range(_NQ):
            _copy(1 - p, h - 1, q).wait()
        for q in range(_NQ):
            _copy(p, h, q).wait()


def kernel(n, relative_attention_bias):
    del n
    table128 = jnp.pad(relative_attention_bias, ((0, 0), (0, 112)))
    vt = _sc_gather(table128)
    vtt = jnp.transpose(vt[:, :_HEADS]).reshape(_HEADS, 1, _VT)
    return pl.pallas_call(
        _fill_kernel,
        grid=(_HEADS,),
        in_specs=[
            pl.BlockSpec((1, 1, _VT), lambda h: (h, 0, 0)),
        ],
        out_specs=pl.BlockSpec(memory_space=pl.ANY),
        out_shape=jax.ShapeDtypeStruct((_HEADS, _N, _N), jnp.float32),
        scratch_shapes=[
            pltpu.VMEM((8, _W8), jnp.float32),
            pltpu.VMEM((2, _QROWS, _WA), jnp.float32),
            pltpu.SemaphoreType.DMA((2,)),
        ],
    )(vtt)

# --- scband reference (transcript-rebuilt; emitter-appended) ---
"""Pipeline reference for scband-relative-position-bias-15479062135526 (READ-ONLY COPY).

The authoritative reference and input builder live on the scoring server;
editing this copy changes nothing except your own understanding.
"""

import math
import jax, jax.numpy as jnp
import numpy as np

NUM_BUCKETS = 32
MAX_DISTANCE = 128
HEADS = 16


def _relative_position_bucket(relative_position, num_buckets=NUM_BUCKETS, max_distance=MAX_DISTANCE):
    n = -relative_position
    num_buckets = num_buckets // 2
    ret = (n < 0).astype(jnp.int32) * num_buckets
    n = jnp.abs(n)
    max_exact = num_buckets // 2
    is_small = n < max_exact
    val_if_large = max_exact + (
        jnp.log(n.astype(jnp.float32) / max_exact)
        / math.log(max_distance / max_exact)
        * (num_buckets - max_exact)
    ).astype(jnp.int32)
    val_if_large = jnp.minimum(val_if_large, jnp.full_like(val_if_large, num_buckets - 1))
    return ret + jnp.where(is_small, n.astype(jnp.int32), val_if_large)


def setup_inputs(seed: int = 0) -> dict:
    key = jax.random.key(seed)
    n = 2048
    relative_attention_bias = jax.random.normal(key, (NUM_BUCKETS, HEADS), dtype=jnp.float32) * 0.02
    return {"n": n, "relative_attention_bias": relative_attention_bias}


def reference(n, relative_attention_bias):
    n_static = 2048
    zero = jnp.asarray(n - n, dtype=jnp.int32)
    q_pos = jnp.arange(n_static, dtype=jnp.int32) + zero
    k_pos = jnp.arange(n_static, dtype=jnp.int32) + zero
    rel_pos = k_pos[None, :] - q_pos[:, None]
    rp_bucket = _relative_position_bucket(rel_pos, num_buckets=NUM_BUCKETS, max_distance=MAX_DISTANCE)
    # embedding lookup: gather rows of the bias table -> [n, n, heads]
    values = jnp.take(relative_attention_bias, rp_bucket, axis=0)
    # 'i j h -> h i j'
    return jnp.transpose(values, (2, 0, 1))

if __name__ == "__main__":
    import jax
    _d = setup_inputs()
    print(jax.jit(kernel)(*tuple(_d.values())))

</pallas_src>

<mosaic_0001>
#map = affine_map<(d0, d1) -> (0, 0)>
module attributes {stable_mosaic.version = 14 : i64} {
  func.func @_sc_gather_kernel(%arg0: i32, %arg1: i32, %arg2: memref<32x128xf32, #tpu.memory_space<hbm>>, %arg3: memref<5120x128xf32, #tpu.memory_space<hbm>>, %arg4: memref<2x80xi32, #tpu.memory_space<vmem>>, %arg5: memref<2x80x128xf32, #tpu.memory_space<vmem>>, %arg6: memref<!tpu.dma_semaphore, #tpu.memory_space<semaphore_mem>>) attributes {dimension_semantics = [#tpu.dimension_semantics<core_parallel>, #tpu.dimension_semantics<subcore_parallel>], iteration_bounds = array<i64: 2, 16>, scalar_prefetch = 0 : i64, scratch_operands = 3 : i64, tpu.core_type = #tpu.core_type<sc_vector_subcore>, window_params = [{transform_indices = #map}, {transform_indices = #map}]} {
    %mul3A = arith.constant 2 : i32
    %mul3A_0 = arith.muli %arg1, %mul3A : i32
    %add3A = arith.addi %mul3A_0, %arg0 : i32
    %mul3A_1 = arith.constant 160 : i32
    %mul3A_2 = arith.muli %add3A, %mul3A_1 : i32
    %add3A_3 = arith.constant 0 : i32
    %add3A_4 = arith.addi %mul3A_2, %add3A_3 : i32
    %add3A_5 = arith.constant 0 : i32
    %add3A_6 = arith.addi %add3A_4, %add3A_5 : i32
    %iota3A = tpu.iota {dimensions = array<i32: 0>} : vector<16xi32>
    %add3A_7 = vector.broadcast %add3A_6 : i32 to vector<16xi32>
    %add3A_8 = arith.addi %add3A_7, %iota3A : vector<16xi32>
    %sub3A = arith.constant 2303 : i32
    %sub3A_9 = vector.broadcast %sub3A : i32 to vector<16xi32>
    %sub3A_10 = arith.subi %sub3A_9, %add3A_8 : vector<16xi32>
    %lt3A = arith.constant 0 : i32
    %lt3A_11 = vector.broadcast %lt3A : i32 to vector<16xi32>
    %lt3A_12 = arith.cmpi slt, %sub3A_10, %lt3A_11 : vector<16xi32>
    %jit3A = arith.constant 16 : i32
    %jit3A_13 = arith.constant 0 : i32
    %broadcast_in_dim3A = vector.broadcast %jit3A : i32 to vector<16xi32>
    %broadcast_in_dim3A_14 = vector.broadcast %jit3A_13 : i32 to vector<16xi32>
    %select_n3A = arith.select %lt3A_12, %broadcast_in_dim3A, %broadcast_in_dim3A_14 : vector<16xi1>, vector<16xi32>
    %abs3A = math.absi %sub3A_10 : vector<16xi32>
    %convert_element_type3A = arith.sitofp %abs3A : vector<16xi32> to vector<16xf32>
    %bitcast_convert_type3A = tpu.bitcast %convert_element_type3A : vector<16xf32> -> vector<16xi32>
    %shift_right_arithmetic3A = arith.constant 23 : i32
    %shift_right_arithmetic3A_15 = vector.broadcast %shift_right_arithmetic3A : i32 to vector<16xi32>
    %shift_right_arithmetic3A_16 = arith.shrsi %bitcast_convert_type3A, %shift_right_arithmetic3A_15 : vector<16xi32>
    %sub3A_17 = arith.constant 127 : i32
    %sub3A_18 = vector.broadcast %sub3A_17 : i32 to vector<16xi32>
    %sub3A_19 = arith.subi %shift_right_arithmetic3A_16, %sub3A_18 : vector<16xi32>
    %mul3A_20 = arith.constant 2 : i32
    %mul3A_21 = vector.broadcast %mul3A_20 : i32 to vector<16xi32>
    %mul3A_22 = arith.muli %sub3A_19, %mul3A_21 : vector<16xi32>
    %and3A = arith.constant 8388607 : i32
    %and3A_23 = vector.broadcast %and3A : i32 to vector<16xi32>
    %and3A_24 = arith.andi %bitcast_convert_type3A, %and3A_23 : vector<16xi32>
    %ge3A = arith.constant 3474676 : i32
    %ge3A_25 = vector.broadcast %ge3A : i32 to vector<16xi32>
    %ge3A_26 = arith.cmpi sge, %and3A_24, %ge3A_25 : vector<16xi32>
    %jit3A_27 = arith.constant 1 : i32
    %jit3A_28 = arith.constant 0 : i32
    %broadcast_in_dim3A_29 = vector.broadcast %jit3A_27 : i32 to vector<16xi32>
    %broadcast_in_dim3A_30 = vector.broadcast %jit3A_28 : i32 to vector<16xi32>
    %select_n3A_31 = arith.select %ge3A_26, %broadcast_in_dim3A_29, %broadcast_in_dim3A_30 : vector<16xi1>, vector<16xi32>
    %add3A_32 = arith.constant 2 : i32
    %add3A_33 = vector.broadcast %add3A_32 : i32 to vector<16xi32>
    %add3A_34 = arith.addi %add3A_33, %mul3A_22 : vector<16xi32>
    %add3A_35 = arith.addi %add3A_34, %select_n3A_31 : vector<16xi32>
    %min3A = arith.constant 15 : i32
    %min3A_36 = vector.broadcast %min3A : i32 to vector<16xi32>
    %min3A_37 = arith.minsi %add3A_35, %min3A_36 : vector<16xi32>
    %lt3A_38 = arith.constant 8 : i32
    %lt3A_39 = vector.broadcast %lt3A_38 : i32 to vector<16xi32>
    %lt3A_40 = arith.cmpi slt, %abs3A, %lt3A_39 : vector<16xi32>
    %select_n3A_41 = arith.select %lt3A_40, %abs3A, %min3A_37 : vector<16xi1>, vector<16xi32>
    %add3A_42 = arith.addi %select_n3A, %select_n3A_41 : vector<16xi32>
    %swap3A = arith.constant 0 : i32
    %swap3A_43 = arith.index_cast %swap3A : i32 to index
    %swap3A_44 = arith.constant 0 : index
    %swap3A_45 = tpu.vector_load %arg4[%swap3A_43, %swap3A_44] {strides = array<i32>} : memref<2x80xi32, #tpu.memory_space<vmem>>, vector<1x16xi32>,
    %swap3A_46 = vector.shape_cast %swap3A_45 : vector<1x16xi32> to vector<16xi32>
    %swap3A_47 = vector.shape_cast %add3A_42 : vector<16xi32> to vector<1x16xi32>
    tpu.vector_store %arg4[%swap3A_43, %swap3A_44], %swap3A_47 {strides = array<i32>} : memref<2x80xi32, #tpu.memory_space<vmem>>, vector<1x16xi32>,
    %add3A_48 = arith.constant 0 : i32
    %add3A_49 = arith.addi %mul3A_2, %add3A_48 : i32
    %add3A_50 = arith.constant 16 : i32
    %add3A_51 = arith.addi %add3A_49, %add3A_50 : i32
    %iota3A_52 = tpu.iota {dimensions = array<i32: 0>} : vector<16xi32>
    %add3A_53 = vector.broadcast %add3A_51 : i32 to vector<16xi32>
    %add3A_54 = arith.addi %add3A_53, %iota3A_52 : vector<16xi32>
    %sub3A_55 = arith.constant 2303 : i32
    %sub3A_56 = vector.broadcast %sub3A_55 : i32 to vector<16xi32>
    %sub3A_57 = arith.subi %sub3A_56, %add3A_54 : vector<16xi32>
    %lt3A_58 = arith.constant 0 : i32
    %lt3A_59 = vector.broadcast %lt3A_58 : i32 to vector<16xi32>
    %lt3A_60 = arith.cmpi slt, %sub3A_57, %lt3A_59 : vector<16xi32>
    %jit3A_61 = arith.constant 16 : i32
    %jit3A_62 = arith.constant 0 : i32
    %broadcast_in_dim3A_63 = vector.broadcast %jit3A_61 : i32 to vector<16xi32>
    %broadcast_in_dim3A_64 = vector.broadcast %jit3A_62 : i32 to vector<16xi32>
    %select_n3A_65 = arith.select %lt3A_60, %broadcast_in_dim3A_63, %broadcast_in_dim3A_64 : vector<16xi1>, vector<16xi32>
    %abs3A_66 = math.absi %sub3A_57 : vector<16xi32>
    %convert_element_type3A_67 = arith.sitofp %abs3A_66 : vector<16xi32> to vector<16xf32>
    %bitcast_convert_type3A_68 = tpu.bitcast %convert_element_type3A_67 : vector<16xf32> -> vector<16xi32>
    %shift_right_arithmetic3A_69 = arith.constant 23 : i32
    %shift_right_arithmetic3A_70 = vector.broadcast %shift_right_arithmetic3A_69 : i32 to vector<16xi32>
    %shift_right_arithmetic3A_71 = arith.shrsi %bitcast_convert_type3A_68, %shift_right_arithmetic3A_70 : vector<16xi32>
    %sub3A_72 = arith.constant 127 : i32
    %sub3A_73 = vector.broadcast %sub3A_72 : i32 to vector<16xi32>
    %sub3A_74 = arith.subi %shift_right_arithmetic3A_71, %sub3A_73 : vector<16xi32>
    %mul3A_75 = arith.constant 2 : i32
    %mul3A_76 = vector.broadcast %mul3A_75 : i32 to vector<16xi32>
    %mul3A_77 = arith.muli %sub3A_74, %mul3A_76 : vector<16xi32>
    %and3A_78 = arith.constant 8388607 : i32
    %and3A_79 = vector.broadcast %and3A_78 : i32 to vector<16xi32>
    %and3A_80 = arith.andi %bitcast_convert_type3A_68, %and3A_79 : vector<16xi32>
    %ge3A_81 = arith.constant 3474676 : i32
    %ge3A_82 = vector.broadcast %ge3A_81 : i32 to vector<16xi32>
    %ge3A_83 = arith.cmpi sge, %and3A_80, %ge3A_82 : vector<16xi32>
    %jit3A_84 = arith.constant 1 : i32
    %jit3A_85 = arith.constant 0 : i32
    %broadcast_in_dim3A_86 = vector.broadcast %jit3A_84 : i32 to vector<16xi32>
    %broadcast_in_dim3A_87 = vector.broadcast %jit3A_85 : i32 to vector<16xi32>
    %select_n3A_88 = arith.select %ge3A_83, %broadcast_in_dim3A_86, %broadcast_in_dim3A_87 : vector<16xi1>, vector<16xi32>
    %add3A_89 = arith.constant 2 : i32
    %add3A_90 = vector.broadcast %add3A_89 : i32 to vector<16xi32>
    %add3A_91 = arith.addi %add3A_90, %mul3A_77 : vector<16xi32>
    %add3A_92 = arith.addi %add3A_91, %select_n3A_88 : vector<16xi32>
    %min3A_93 = arith.constant 15 : i32
    %min3A_94 = vector.broadcast %min3A_93 : i32 to vector<16xi32>
    %min3A_95 = arith.minsi %add3A_92, %min3A_94 : vector<16xi32>
    %lt3A_96 = arith.constant 8 : i32
    %lt3A_97 = vector.broadcast %lt3A_96 : i32 to vector<16xi32>
    %lt3A_98 = arith.cmpi slt, %abs3A_66, %lt3A_97 : vector<16xi32>
    %select_n3A_99 = arith.select %lt3A_98, %abs3A_66, %min3A_95 : vector<16xi1>, vector<16xi32>
    %add3A_100 = arith.addi %select_n3A_65, %select_n3A_99 : vector<16xi32>
    %swap3A_101 = arith.constant 0 : i32
    %swap3A_102 = arith.index_cast %swap3A_101 : i32 to index
    %swap3A_103 = arith.constant 16 : index
    %swap3A_104 = tpu.vector_load %arg4[%swap3A_102, %swap3A_103] {strides = array<i32>} : memref<2x80xi32, #tpu.memory_space<vmem>>, vector<1x16xi32>,
    %swap3A_105 = vector.shape_cast %swap3A_104 : vector<1x16xi32> to vector<16xi32>
    %swap3A_106 = vector.shape_cast %add3A_100 : vector<16xi32> to vector<1x16xi32>
    tpu.vector_store %arg4[%swap3A_102, %swap3A_103], %swap3A_106 {strides = array<i32>} : memref<2x80xi32, #tpu.memory_space<vmem>>, vector<1x16xi32>,
    %add3A_107 = arith.constant 0 : i32
    %add3A_108 = arith.addi %mul3A_2, %add3A_107 : i32
    %add3A_109 = arith.constant 32 : i32
    %add3A_110 = arith.addi %add3A_108, %add3A_109 : i32
    %iota3A_111 = tpu.iota {dimensions = array<i32: 0>} : vector<16xi32>
    %add3A_112 = vector.broadcast %add3A_110 : i32 to vector<16xi32>
    %add3A_113 = arith.addi %add3A_112, %iota3A_111 : vector<16xi32>
    %sub3A_114 = arith.constant 2303 : i32
    %sub3A_115 = vector.broadcast %sub3A_114 : i32 to vector<16xi32>
    %sub3A_116 = arith.subi %sub3A_115, %add3A_113 : vector<16xi32>
    %lt3A_117 = arith.constant 0 : i32
    %lt3A_118 = vector.broadcast %lt3A_117 : i32 to vector<16xi32>
    %lt3A_119 = arith.cmpi slt, %sub3A_116, %lt3A_118 : vector<16xi32>
    %jit3A_120 = arith.constant 16 : i32
    %jit3A_121 = arith.constant 0 : i32
    %broadcast_in_dim3A_122 = vector.broadcast %jit3A_120 : i32 to vector<16xi32>
    %broadcast_in_dim3A_123 = vector.broadcast %jit3A_121 : i32 to vector<16xi32>
    %select_n3A_124 = arith.select %lt3A_119, %broadcast_in_dim3A_122, %broadcast_in_dim3A_123 : vector<16xi1>, vector<16xi32>
    %abs3A_125 = math.absi %sub3A_116 : vector<16xi32>
    %convert_element_type3A_126 = arith.sitofp %abs3A_125 : vector<16xi32> to vector<16xf32>
    %bitcast_convert_type3A_127 = tpu.bitcast %convert_element_type3A_126 : vector<16xf32> -> vector<16xi32>
    %shift_right_arithmetic3A_128 = arith.constant 23 : i32
    %shift_right_arithmetic3A_129 = vector.broadcast %shift_right_arithmetic3A_128 : i32 to vector<16xi32>
    %shift_right_arithmetic3A_130 = arith.shrsi %bitcast_convert_type3A_127, %shift_right_arithmetic3A_129 : vector<16xi32>
    %sub3A_131 = arith.constant 127 : i32
    %sub3A_132 = vector.broadcast %sub3A_131 : i32 to vector<16xi32>
    %sub3A_133 = arith.subi %shift_right_arithmetic3A_130, %sub3A_132 : vector<16xi32>
    %mul3A_134 = arith.constant 2 : i32
    %mul3A_135 = vector.broadcast %mul3A_134 : i32 to vector<16xi32>
    %mul3A_136 = arith.muli %sub3A_133, %mul3A_135 : vector<16xi32>
    %and3A_137 = arith.constant 8388607 : i32
    %and3A_138 = vector.broadcast %and3A_137 : i32 to vector<16xi32>
    %and3A_139 = arith.andi %bitcast_convert_type3A_127, %and3A_138 : vector<16xi32>
    %ge3A_140 = arith.constant 3474676 : i32
    %ge3A_141 = vector.broadcast %ge3A_140 : i32 to vector<16xi32>
    %ge3A_142 = arith.cmpi sge, %and3A_139, %ge3A_141 : vector<16xi32>
    %jit3A_143 = arith.constant 1 : i32
    %jit3A_144 = arith.constant 0 : i32
    %broadcast_in_dim3A_145 = vector.broadcast %jit3A_143 : i32 to vector<16xi32>
    %broadcast_in_dim3A_146 = vector.broadcast %jit3A_144 : i32 to vector<16xi32>
    %select_n3A_147 = arith.select %ge3A_142, %broadcast_in_dim3A_145, %broadcast_in_dim3A_146 : vector<16xi1>, vector<16xi32>
    %add3A_148 = arith.constant 2 : i32
    %add3A_149 = vector.broadcast %add3A_148 : i32 to vector<16xi32>
    %add3A_150 = arith.addi %add3A_149, %mul3A_136 : vector<16xi32>
    %add3A_151 = arith.addi %add3A_150, %select_n3A_147 : vector<16xi32>
    %min3A_152 = arith.constant 15 : i32
    %min3A_153 = vector.broadcast %min3A_152 : i32 to vector<16xi32>
    %min3A_154 = arith.minsi %add3A_151, %min3A_153 : vector<16xi32>
    %lt3A_155 = arith.constant 8 : i32
    %lt3A_156 = vector.broadcast %lt3A_155 : i32 to vector<16xi32>
    %lt3A_157 = arith.cmpi slt, %abs3A_125, %lt3A_156 : vector<16xi32>
    %select_n3A_158 = arith.select %lt3A_157, %abs3A_125, %min3A_154 : vector<16xi1>, vector<16xi32>
    %add3A_159 = arith.addi %select_n3A_124, %select_n3A_158 : vector<16xi32>
    %swap3A_160 = arith.constant 0 : i32
    %swap3A_161 = arith.index_cast %swap3A_160 : i32 to index
    %swap3A_162 = arith.constant 32 : index
    %swap3A_163 = tpu.vector_load %arg4[%swap3A_161, %swap3A_162] {strides = array<i32>} : memref<2x80xi32, #tpu.memory_space<vmem>>, vector<1x16xi32>,
    %swap3A_164 = vector.shape_cast %swap3A_163 : vector<1x16xi32> to vector<16xi32>
    %swap3A_165 = vector.shape_cast %add3A_159 : vector<16xi32> to vector<1x16xi32>
    tpu.vector_store %arg4[%swap3A_161, %swap3A_162], %swap3A_165 {strides = array<i32>} : memref<2x80xi32, #tpu.memory_space<vmem>>, vector<1x16xi32>,
    %add3A_166 = arith.constant 0 : i32
    %add3A_167 = arith.addi %mul3A_2, %add3A_166 : i32
    %add3A_168 = arith.constant 48 : i32
    %add3A_169 = arith.addi %add3A_167, %add3A_168 : i32
    %iota3A_170 = tpu.iota {dimensions = array<i32: 0>} : vector<16xi32>
    %add3A_171 = vector.broadcast %add3A_169 : i32 to vector<16xi32>
    %add3A_172 = arith.addi %add3A_171, %iota3A_170 : vector<16xi32>
    %sub3A_173 = arith.constant 2303 : i32
    %sub3A_174 = vector.broadcast %sub3A_173 : i32 to vector<16xi32>
    %sub3A_175 = arith.subi %sub3A_174, %add3A_172 : vector<16xi32>
    %lt3A_176 = arith.constant 0 : i32
    %lt3A_177 = vector.broadcast %lt3A_176 : i32 to vector<16xi32>
    %lt3A_178 = arith.cmpi slt, %sub3A_175, %lt3A_177 : vector<16xi32>
    %jit3A_179 = arith.constant 16 : i32
    %jit3A_180 = arith.constant 0 : i32
    %broadcast_in_dim3A_181 = vector.broadcast %jit3A_179 : i32 to vector<16xi32>
    %broadcast_in_dim3A_182 = vector.broadcast %jit3A_180 : i32 to vector<16xi32>
    %select_n3A_183 = arith.select %lt3A_178, %broadcast_in_dim3A_181, %broadcast_in_dim3A_182 : vector<16xi1>, vector<16xi32>
    %abs3A_184 = math.absi %sub3A_175 : vector<16xi32>
    %convert_element_type3A_185 = arith.sitofp %abs3A_184 : vector<16xi32> to vector<16xf32>
    %bitcast_convert_type3A_186 = tpu.bitcast %convert_element_type3A_185 : vector<16xf32> -> vector<16xi32>
    %shift_right_arithmetic3A_187 = arith.constant 23 : i32
    %shift_right_arithmetic3A_188 = vector.broadcast %shift_right_arithmetic3A_187 : i32 to vector<16xi32>
    %shift_right_arithmetic3A_189 = arith.shrsi %bitcast_convert_type3A_186, %shift_right_arithmetic3A_188 : vector<16xi32>
    %sub3A_190 = arith.constant 127 : i32
    %sub3A_191 = vector.broadcast %sub3A_190 : i32 to vector<16xi32>
    %sub3A_192 = arith.subi %shift_right_arithmetic3A_189, %sub3A_191 : vector<16xi32>
    %mul3A_193 = arith.constant 2 : i32
    %mul3A_194 = vector.broadcast %mul3A_193 : i32 to vector<16xi32>
    %mul3A_195 = arith.muli %sub3A_192, %mul3A_194 : vector<16xi32>
    %and3A_196 = arith.constant 8388607 : i32
    %and3A_197 = vector.broadcast %and3A_196 : i32 to vector<16xi32>
    %and3A_198 = arith.andi %bitcast_convert_type3A_186, %and3A_197 : vector<16xi32>
    %ge3A_199 = arith.constant 3474676 : i32
    %ge3A_200 = vector.broadcast %ge3A_199 : i32 to vector<16xi32>
    %ge3A_201 = arith.cmpi sge, %and3A_198, %ge3A_200 : vector<16xi32>
    %jit3A_202 = arith.constant 1 : i32
    %jit3A_203 = arith.constant 0 : i32
    %broadcast_in_dim3A_204 = vector.broadcast %jit3A_202 : i32 to vector<16xi32>
    %broadcast_in_dim3A_205 = vector.broadcast %jit3A_203 : i32 to vector<16xi32>
    %select_n3A_206 = arith.select %ge3A_201, %broadcast_in_dim3A_204, %broadcast_in_dim3A_205 : vector<16xi1>, vector<16xi32>
    %add3A_207 = arith.constant 2 : i32
    %add3A_208 = vector.broadcast %add3A_207 : i32 to vector<16xi32>
    %add3A_209 = arith.addi %add3A_208, %mul3A_195 : vector<16xi32>
    %add3A_210 = arith.addi %add3A_209, %select_n3A_206 : vector<16xi32>
    %min3A_211 = arith.constant 15 : i32
    %min3A_212 = vector.broadcast %min3A_211 : i32 to vector<16xi32>
    %min3A_213 = arith.minsi %add3A_210, %min3A_212 : vector<16xi32>
    %lt3A_214 = arith.constant 8 : i32
    %lt3A_215 = vector.broadcast %lt3A_214 : i32 to vector<16xi32>
    %lt3A_216 = arith.cmpi slt, %abs3A_184, %lt3A_215 : vector<16xi32>
    %select_n3A_217 = arith.select %lt3A_216, %abs3A_184, %min3A_213 : vector<16xi1>, vector<16xi32>
    %add3A_218 = arith.addi %select_n3A_183, %select_n3A_217 : vector<16xi32>
    %swap3A_219 = arith.constant 0 : i32
    %swap3A_220 = arith.index_cast %swap3A_219 : i32 to index
    %swap3A_221 = arith.constant 48 : index
    %swap3A_222 = tpu.vector_load %arg4[%swap3A_220, %swap3A_221] {strides = array<i32>} : memref<2x80xi32, #tpu.memory_space<vmem>>, vector<1x16xi32>,
    %swap3A_223 = vector.shape_cast %swap3A_222 : vector<1x16xi32> to vector<16xi32>
    %swap3A_224 = vector.shape_cast %add3A_218 : vector<16xi32> to vector<1x16xi32>
    tpu.vector_store %arg4[%swap3A_220, %swap3A_221], %swap3A_224 {strides = array<i32>} : memref<2x80xi32, #tpu.memory_space<vmem>>, vector<1x16xi32>,
    %add3A_225 = arith.constant 0 : i32
    %add3A_226 = arith.addi %mul3A_2, %add3A_225 : i32
    %add3A_227 = arith.constant 64 : i32
    %add3A_228 = arith.addi %add3A_226, %add3A_227 : i32
    %iota3A_229 = tpu.iota {dimensions = array<i32: 0>} : vector<16xi32>
    %add3A_230 = vector.broadcast %add3A_228 : i32 to vector<16xi32>
    %add3A_231 = arith.addi %add3A_230, %iota3A_229 : vector<16xi32>
    %sub3A_232 = arith.constant 2303 : i32
    %sub3A_233 = vector.broadcast %sub3A_232 : i32 to vector<16xi32>
    %sub3A_234 = arith.subi %sub3A_233, %add3A_231 : vector<16xi32>
    %lt3A_235 = arith.constant 0 : i32
    %lt3A_236 = vector.broadcast %lt3A_235 : i32 to vector<16xi32>
    %lt3A_237 = arith.cmpi slt, %sub3A_234, %lt3A_236 : vector<16xi32>
    %jit3A_238 = arith.constant 16 : i32
    %jit3A_239 = arith.constant 0 : i32
    %broadcast_in_dim3A_240 = vector.broadcast %jit3A_238 : i32 to vector<16xi32>
    %broadcast_in_dim3A_241 = vector.broadcast %jit3A_239 : i32 to vector<16xi32>
    %select_n3A_242 = arith.select %lt3A_237, %broadcast_in_dim3A_240, %broadcast_in_dim3A_241 : vector<16xi1>, vector<16xi32>
    %abs3A_243 = math.absi %sub3A_234 : vector<16xi32>
    %convert_element_type3A_244 = arith.sitofp %abs3A_243 : vector<16xi32> to vector<16xf32>
    %bitcast_convert_type3A_245 = tpu.bitcast %convert_element_type3A_244 : vector<16xf32> -> vector<16xi32>
    %shift_right_arithmetic3A_246 = arith.constant 23 : i32
    %shift_right_arithmetic3A_247 = vector.broadcast %shift_right_arithmetic3A_246 : i32 to vector<16xi32>
    %shift_right_arithmetic3A_248 = arith.shrsi %bitcast_convert_type3A_245, %shift_right_arithmetic3A_247 : vector<16xi32>
    %sub3A_249 = arith.constant 127 : i32
    %sub3A_250 = vector.broadcast %sub3A_249 : i32 to vector<16xi32>
    %sub3A_251 = arith.subi %shift_right_arithmetic3A_248, %sub3A_250 : vector<16xi32>
    %mul3A_252 = arith.constant 2 : i32
    %mul3A_253 = vector.broadcast %mul3A_252 : i32 to vector<16xi32>
    %mul3A_254 = arith.muli %sub3A_251, %mul3A_253 : vector<16xi32>
    %and3A_255 = arith.constant 8388607 : i32
    %and3A_256 = vector.broadcast %and3A_255 : i32 to vector<16xi32>
    %and3A_257 = arith.andi %bitcast_convert_type3A_245, %and3A_256 : vector<16xi32>
    %ge3A_258 = arith.constant 3474676 : i32
    %ge3A_259 = vector.broadcast %ge3A_258 : i32 to vector<16xi32>
    %ge3A_260 = arith.cmpi sge, %and3A_257, %ge3A_259 : vector<16xi32>
    %jit3A_261 = arith.constant 1 : i32
    %jit3A_262 = arith.constant 0 : i32
    %broadcast_in_dim3A_263 = vector.broadcast %jit3A_261 : i32 to vector<16xi32>
    %broadcast_in_dim3A_264 = vector.broadcast %jit3A_262 : i32 to vector<16xi32>
    %select_n3A_265 = arith.select %ge3A_260, %broadcast_in_dim3A_263, %broadcast_in_dim3A_264 : vector<16xi1>, vector<16xi32>
    %add3A_266 = arith.constant 2 : i32
    %add3A_267 = vector.broadcast %add3A_266 : i32 to vector<16xi32>
    %add3A_268 = arith.addi %add3A_267, %mul3A_254 : vector<16xi32>
    %add3A_269 = arith.addi %add3A_268, %select_n3A_265 : vector<16xi32>
    %min3A_270 = arith.constant 15 : i32
    %min3A_271 = vector.broadcast %min3A_270 : i32 to vector<16xi32>
    %min3A_272 = arith.minsi %add3A_269, %min3A_271 : vector<16xi32>
    %lt3A_273 = arith.constant 8 : i32
    %lt3A_274 = vector.broadcast %lt3A_273 : i32 to vector<16xi32>
    %lt3A_275 = arith.cmpi slt, %abs3A_243, %lt3A_274 : vector<16xi32>
    %select_n3A_276 = arith.select %lt3A_275, %abs3A_243, %min3A_272 : vector<16xi1>, vector<16xi32>
    %add3A_277 = arith.addi %select_n3A_242, %select_n3A_276 : vector<16xi32>
    %swap3A_278 = arith.constant 0 : i32
    %swap3A_279 = arith.index_cast %swap3A_278 : i32 to index
    %swap3A_280 = arith.constant 64 : index
    %swap3A_281 = tpu.vector_load %arg4[%swap3A_279, %swap3A_280] {strides = array<i32>} : memref<2x80xi32, #tpu.memory_space<vmem>>, vector<1x16xi32>,
    %swap3A_282 = vector.shape_cast %swap3A_281 : vector<1x16xi32> to vector<16xi32>
    %swap3A_283 = vector.shape_cast %add3A_277 : vector<16xi32> to vector<1x16xi32>
    tpu.vector_store %arg4[%swap3A_279, %swap3A_280], %swap3A_283 {strides = array<i32>} : memref<2x80xi32, #tpu.memory_space<vmem>>, vector<1x16xi32>,
    %add3A_284 = arith.constant 80 : i32
    %add3A_285 = arith.addi %mul3A_2, %add3A_284 : i32
    %add3A_286 = arith.constant 0 : i32
    %add3A_287 = arith.addi %add3A_285, %add3A_286 : i32
    %iota3A_288 = tpu.iota {dimensions = array<i32: 0>} : vector<16xi32>
    %add3A_289 = vector.broadcast %add3A_287 : i32 to vector<16xi32>
    %add3A_290 = arith.addi %add3A_289, %iota3A_288 : vector<16xi32>
    %sub3A_291 = arith.constant 2303 : i32
    %sub3A_292 = vector.broadcast %sub3A_291 : i32 to vector<16xi32>
    %sub3A_293 = arith.subi %sub3A_292, %add3A_290 : vector<16xi32>
    %lt3A_294 = arith.constant 0 : i32
    %lt3A_295 = vector.broadcast %lt3A_294 : i32 to vector<16xi32>
    %lt3A_296 = arith.cmpi slt, %sub3A_293, %lt3A_295 : vector<16xi32>
    %jit3A_297 = arith.constant 16 : i32
    %jit3A_298 = arith.constant 0 : i32
    %broadcast_in_dim3A_299 = vector.broadcast %jit3A_297 : i32 to vector<16xi32>
    %broadcast_in_dim3A_300 = vector.broadcast %jit3A_298 : i32 to vector<16xi32>
    %select_n3A_301 = arith.select %lt3A_296, %broadcast_in_dim3A_299, %broadcast_in_dim3A_300 : vector<16xi1>, vector<16xi32>
    %abs3A_302 = math.absi %sub3A_293 : vector<16xi32>
    %convert_element_type3A_303 = arith.sitofp %abs3A_302 : vector<16xi32> to vector<16xf32>
    %bitcast_convert_type3A_304 = tpu.bitcast %convert_element_type3A_303 : vector<16xf32> -> vector<16xi32>
    %shift_right_arithmetic3A_305 = arith.constant 23 : i32
    %shift_right_arithmetic3A_306 = vector.broadcast %shift_right_arithmetic3A_305 : i32 to vector<16xi32>
    %shift_right_arithmetic3A_307 = arith.shrsi %bitcast_convert_type3A_304, %shift_right_arithmetic3A_306 : vector<16xi32>
    %sub3A_308 = arith.constant 127 : i32
    %sub3A_309 = vector.broadcast %sub3A_308 : i32 to vector<16xi32>
    %sub3A_310 = arith.subi %shift_right_arithmetic3A_307, %sub3A_309 : vector<16xi32>
    %mul3A_311 = arith.constant 2 : i32
    %mul3A_312 = vector.broadcast %mul3A_311 : i32 to vector<16xi32>
    %mul3A_313 = arith.muli %sub3A_310, %mul3A_312 : vector<16xi32>
    %and3A_314 = arith.constant 8388607 : i32
    %and3A_315 = vector.broadcast %and3A_314 : i32 to vector<16xi32>
    %and3A_316 = arith.andi %bitcast_convert_type3A_304, %and3A_315 : vector<16xi32>
    %ge3A_317 = arith.constant 3474676 : i32
    %ge3A_318 = vector.broadcast %ge3A_317 : i32 to vector<16xi32>
    %ge3A_319 = arith.cmpi sge, %and3A_316, %ge3A_318 : vector<16xi32>
    %jit3A_320 = arith.constant 1 : i32
    %jit3A_321 = arith.constant 0 : i32
    %broadcast_in_dim3A_322 = vector.broadcast %jit3A_320 : i32 to vector<16xi32>
    %broadcast_in_dim3A_323 = vector.broadcast %jit3A_321 : i32 to vector<16xi32>
    %select_n3A_324 = arith.select %ge3A_319, %broadcast_in_dim3A_322, %broadcast_in_dim3A_323 : vector<16xi1>, vector<16xi32>
    %add3A_325 = arith.constant 2 : i32
    %add3A_326 = vector.broadcast %add3A_325 : i32 to vector<16xi32>
    %add3A_327 = arith.addi %add3A_326, %mul3A_313 : vector<16xi32>
    %add3A_328 = arith.addi %add3A_327, %select_n3A_324 : vector<16xi32>
    %min3A_329 = arith.constant 15 : i32
    %min3A_330 = vector.broadcast %min3A_329 : i32 to vector<16xi32>
    %min3A_331 = arith.minsi %add3A_328, %min3A_330 : vector<16xi32>
    %lt3A_332 = arith.constant 8 : i32
    %lt3A_333 = vector.broadcast %lt3A_332 : i32 to vector<16xi32>
    %lt3A_334 = arith.cmpi slt, %abs3A_302, %lt3A_333 : vector<16xi32>
    %select_n3A_335 = arith.select %lt3A_334, %abs3A_302, %min3A_331 : vector<16xi1>, vector<16xi32>
    %add3A_336 = arith.addi %select_n3A_301, %select_n3A_335 : vector<16xi32>
    %swap3A_337 = arith.constant 1 : i32
    %swap3A_338 = arith.index_cast %swap3A_337 : i32 to index
    %swap3A_339 = arith.constant 0 : index
    %swap3A_340 = tpu.vector_load %arg4[%swap3A_338, %swap3A_339] {strides = array<i32>} : memref<2x80xi32, #tpu.memory_space<vmem>>, vector<1x16xi32>,
    %swap3A_341 = vector.shape_cast %swap3A_340 : vector<1x16xi32> to vector<16xi32>
    %swap3A_342 = vector.shape_cast %add3A_336 : vector<16xi32> to vector<1x16xi32>
    tpu.vector_store %arg4[%swap3A_338, %swap3A_339], %swap3A_342 {strides = array<i32>} : memref<2x80xi32, #tpu.memory_space<vmem>>, vector<1x16xi32>,
    %add3A_343 = arith.constant 80 : i32
    %add3A_344 = arith.addi %mul3A_2, %add3A_343 : i32
    %add3A_345 = arith.constant 16 : i32
    %add3A_346 = arith.addi %add3A_344, %add3A_345 : i32
    %iota3A_347 = tpu.iota {dimensions = array<i32: 0>} : vector<16xi32>
    %add3A_348 = vector.broadcast %add3A_346 : i32 to vector<16xi32>
    %add3A_349 = arith.addi %add3A_348, %iota3A_347 : vector<16xi32>
    %sub3A_350 = arith.constant 2303 : i32
    %sub3A_351 = vector.broadcast %sub3A_350 : i32 to vector<16xi32>
    %sub3A_352 = arith.subi %sub3A_351, %add3A_349 : vector<16xi32>
    %lt3A_353 = arith.constant 0 : i32
    %lt3A_354 = vector.broadcast %lt3A_353 : i32 to vector<16xi32>
    %lt3A_355 = arith.cmpi slt, %sub3A_352, %lt3A_354 : vector<16xi32>
    %jit3A_356 = arith.constant 16 : i32
    %jit3A_357 = arith.constant 0 : i32
    %broadcast_in_dim3A_358 = vector.broadcast %jit3A_356 : i32 to vector<16xi32>
    %broadcast_in_dim3A_359 = vector.broadcast %jit3A_357 : i32 to vector<16xi32>
    %select_n3A_360 = arith.select %lt3A_355, %broadcast_in_dim3A_358, %broadcast_in_dim3A_359 : vector<16xi1>, vector<16xi32>
    %abs3A_361 = math.absi %sub3A_352 : vector<16xi32>
    %convert_element_type3A_362 = arith.sitofp %abs3A_361 : vector<16xi32> to vector<16xf32>
    %bitcast_convert_type3A_363 = tpu.bitcast %convert_element_type3A_362 : vector<16xf32> -> vector<16xi32>
    %shift_right_arithmetic3A_364 = arith.constant 23 : i32
    %shift_right_arithmetic3A_365 = vector.broadcast %shift_right_arithmetic3A_364 : i32 to vector<16xi32>
    %shift_right_arithmetic3A_366 = arith.shrsi %bitcast_convert_type3A_363, %shift_right_arithmetic3A_365 : vector<16xi32>
    %sub3A_367 = arith.constant 127 : i32
    %sub3A_368 = vector.broadcast %sub3A_367 : i32 to vector<16xi32>
    %sub3A_369 = arith.subi %shift_right_arithmetic3A_366, %sub3A_368 : vector<16xi32>
    %mul3A_370 = arith.constant 2 : i32
    %mul3A_371 = vector.broadcast %mul3A_370 : i32 to vector<16xi32>
    %mul3A_372 = arith.muli %sub3A_369, %mul3A_371 : vector<16xi32>
    %and3A_373 = arith.constant 8388607 : i32
    %and3A_374 = vector.broadcast %and3A_373 : i32 to vector<16xi32>
    %and3A_375 = arith.andi %bitcast_convert_type3A_363, %and3A_374 : vector<16xi32>
    %ge3A_376 = arith.constant 3474676 : i32
    %ge3A_377 = vector.broadcast %ge3A_376 : i32 to vector<16xi32>
    %ge3A_378 = arith.cmpi sge, %and3A_375, %ge3A_377 : vector<16xi32>
    %jit3A_379 = arith.constant 1 : i32
    %jit3A_380 = arith.constant 0 : i32
    %broadcast_in_dim3A_381 = vector.broadcast %jit3A_379 : i32 to vector<16xi32>
    %broadcast_in_dim3A_382 = vector.broadcast %jit3A_380 : i32 to vector<16xi32>
    %select_n3A_383 = arith.select %ge3A_378, %broadcast_in_dim3A_381, %broadcast_in_dim3A_382 : vector<16xi1>, vector<16xi32>
    %add3A_384 = arith.constant 2 : i32
    %add3A_385 = vector.broadcast %add3A_384 : i32 to vector<16xi32>
    %add3A_386 = arith.addi %add3A_385, %mul3A_372 : vector<16xi32>
    %add3A_387 = arith.addi %add3A_386, %select_n3A_383 : vector<16xi32>
    %min3A_388 = arith.constant 15 : i32
    %min3A_389 = vector.broadcast %min3A_388 : i32 to vector<16xi32>
    %min3A_390 = arith.minsi %add3A_387, %min3A_389 : vector<16xi32>
    %lt3A_391 = arith.constant 8 : i32
    %lt3A_392 = vector.broadcast %lt3A_391 : i32 to vector<16xi32>
    %lt3A_393 = arith.cmpi slt, %abs3A_361, %lt3A_392 : vector<16xi32>
    %select_n3A_394 = arith.select %lt3A_393, %abs3A_361, %min3A_390 : vector<16xi1>, vector<16xi32>
    %add3A_395 = arith.addi %select_n3A_360, %select_n3A_394 : vector<16xi32>
    %swap3A_396 = arith.constant 1 : i32
    %swap3A_397 = arith.index_cast %swap3A_396 : i32 to index
    %swap3A_398 = arith.constant 16 : index
    %swap3A_399 = tpu.vector_load %arg4[%swap3A_397, %swap3A_398] {strides = array<i32>} : memref<2x80xi32, #tpu.memory_space<vmem>>, vector<1x16xi32>,
    %swap3A_400 = vector.shape_cast %swap3A_399 : vector<1x16xi32> to vector<16xi32>
    %swap3A_401 = vector.shape_cast %add3A_395 : vector<16xi32> to vector<1x16xi32>
    tpu.vector_store %arg4[%swap3A_397, %swap3A_398], %swap3A_401 {strides = array<i32>} : memref<2x80xi32, #tpu.memory_space<vmem>>, vector<1x16xi32>,
    %add3A_402 = arith.constant 80 : i32
    %add3A_403 = arith.addi %mul3A_2, %add3A_402 : i32
    %add3A_404 = arith.constant 32 : i32
    %add3A_405 = arith.addi %add3A_403, %add3A_404 : i32
    %iota3A_406 = tpu.iota {dimensions = array<i32: 0>} : vector<16xi32>
    %add3A_407 = vector.broadcast %add3A_405 : i32 to vector<16xi32>
    %add3A_408 = arith.addi %add3A_407, %iota3A_406 : vector<16xi32>
    %sub3A_409 = arith.constant 2303 : i32
    %sub3A_410 = vector.broadcast %sub3A_409 : i32 to vector<16xi32>
    %sub3A_411 = arith.subi %sub3A_410, %add3A_408 : vector<16xi32>
    %lt3A_412 = arith.constant 0 : i32
    %lt3A_413 = vector.broadcast %lt3A_412 : i32 to vector<16xi32>
    %lt3A_414 = arith.cmpi slt, %sub3A_411, %lt3A_413 : vector<16xi32>
    %jit3A_415 = arith.constant 16 : i32
    %jit3A_416 = arith.constant 0 : i32
    %broadcast_in_dim3A_417 = vector.broadcast %jit3A_415 : i32 to vector<16xi32>
    %broadcast_in_dim3A_418 = vector.broadcast %jit3A_416 : i32 to vector<16xi32>
    %select_n3A_419 = arith.select %lt3A_414, %broadcast_in_dim3A_417, %broadcast_in_dim3A_418 : vector<16xi1>, vector<16xi32>
    %abs3A_420 = math.absi %sub3A_411 : vector<16xi32>
    %convert_element_type3A_421 = arith.sitofp %abs3A_420 : vector<16xi32> to vector<16xf32>
    %bitcast_convert_type3A_422 = tpu.bitcast %convert_element_type3A_421 : vector<16xf32> -> vector<16xi32>
    %shift_right_arithmetic3A_423 = arith.constant 23 : i32
    %shift_right_arithmetic3A_424 = vector.broadcast %shift_right_arithmetic3A_423 : i32 to vector<16xi32>
    %shift_right_arithmetic3A_425 = arith.shrsi %bitcast_convert_type3A_422, %shift_right_arithmetic3A_424 : vector<16xi32>
    %sub3A_426 = arith.constant 127 : i32
    %sub3A_427 = vector.broadcast %sub3A_426 : i32 to vector<16xi32>
    %sub3A_428 = arith.subi %shift_right_arithmetic3A_425, %sub3A_427 : vector<16xi32>
    %mul3A_429 = arith.constant 2 : i32
    %mul3A_430 = vector.broadcast %mul3A_429 : i32 to vector<16xi32>
    %mul3A_431 = arith.muli %sub3A_428, %mul3A_430 : vector<16xi32>
    %and3A_432 = arith.constant 8388607 : i32
    %and3A_433 = vector.broadcast %and3A_432 : i32 to vector<16xi32>
    %and3A_434 = arith.andi %bitcast_convert_type3A_422, %and3A_433 : vector<16xi32>
    %ge3A_435 = arith.constant 3474676 : i32
    %ge3A_436 = vector.broadcast %ge3A_435 : i32 to vector<16xi32>
    %ge3A_437 = arith.cmpi sge, %and3A_434, %ge3A_436 : vector<16xi32>
    %jit3A_438 = arith.constant 1 : i32
    %jit3A_439 = arith.constant 0 : i32
    %broadcast_in_dim3A_440 = vector.broadcast %jit3A_438 : i32 to vector<16xi32>
    %broadcast_in_dim3A_441 = vector.broadcast %jit3A_439 : i32 to vector<16xi32>
    %select_n3A_442 = arith.select %ge3A_437, %broadcast_in_dim3A_440, %broadcast_in_dim3A_441 : vector<16xi1>, vector<16xi32>
    %add3A_443 = arith.constant 2 : i32
    %add3A_444 = vector.broadcast %add3A_443 : i32 to vector<16xi32>
    %add3A_445 = arith.addi %add3A_444, %mul3A_431 : vector<16xi32>
    %add3A_446 = arith.addi %add3A_445, %select_n3A_442 : vector<16xi32>
    %min3A_447 = arith.constant 15 : i32
    %min3A_448 = vector.broadcast %min3A_447 : i32 to vector<16xi32>
    %min3A_449 = arith.minsi %add3A_446, %min3A_448 : vector<16xi32>
    %lt3A_450 = arith.constant 8 : i32
    %lt3A_451 = vector.broadcast %lt3A_450 : i32 to vector<16xi32>
    %lt3A_452 = arith.cmpi slt, %abs3A_420, %lt3A_451 : vector<16xi32>
    %select_n3A_453 = arith.select %lt3A_452, %abs3A_420, %min3A_449 : vector<16xi1>, vector<16xi32>
    %add3A_454 = arith.addi %select_n3A_419, %select_n3A_453 : vector<16xi32>
    %swap3A_455 = arith.constant 1 : i32
    %swap3A_456 = arith.index_cast %swap3A_455 : i32 to index
    %swap3A_457 = arith.constant 32 : index
    %swap3A_458 = tpu.vector_load %arg4[%swap3A_456, %swap3A_457] {strides = array<i32>} : memref<2x80xi32, #tpu.memory_space<vmem>>, vector<1x16xi32>,
    %swap3A_459 = vector.shape_cast %swap3A_458 : vector<1x16xi32> to vector<16xi32>
    %swap3A_460 = vector.shape_cast %add3A_454 : vector<16xi32> to vector<1x16xi32>
    tpu.vector_store %arg4[%swap3A_456, %swap3A_457], %swap3A_460 {strides = array<i32>} : memref<2x80xi32, #tpu.memory_space<vmem>>, vector<1x16xi32>,
    %add3A_461 = arith.constant 80 : i32
    %add3A_462 = arith.addi %mul3A_2, %add3A_461 : i32
    %add3A_463 = arith.constant 48 : i32
    %add3A_464 = arith.addi %add3A_462, %add3A_463 : i32
    %iota3A_465 = tpu.iota {dimensions = array<i32: 0>} : vector<16xi32>
    %add3A_466 = vector.broadcast %add3A_464 : i32 to vector<16xi32>
    %add3A_467 = arith.addi %add3A_466, %iota3A_465 : vector<16xi32>
    %sub3A_468 = arith.constant 2303 : i32
    %sub3A_469 = vector.broadcast %sub3A_468 : i32 to vector<16xi32>
    %sub3A_470 = arith.subi %sub3A_469, %add3A_467 : vector<16xi32>
    %lt3A_471 = arith.constant 0 : i32
    %lt3A_472 = vector.broadcast %lt3A_471 : i32 to vector<16xi32>
    %lt3A_473 = arith.cmpi slt, %sub3A_470, %lt3A_472 : vector<16xi32>
    %jit3A_474 = arith.constant 16 : i32
    %jit3A_475 = arith.constant 0 : i32
    %broadcast_in_dim3A_476 = vector.broadcast %jit3A_474 : i32 to vector<16xi32>
    %broadcast_in_dim3A_477 = vector.broadcast %jit3A_475 : i32 to vector<16xi32>
    %select_n3A_478 = arith.select %lt3A_473, %broadcast_in_dim3A_476, %broadcast_in_dim3A_477 : vector<16xi1>, vector<16xi32>
    %abs3A_479 = math.absi %sub3A_470 : vector<16xi32>
    %convert_element_type3A_480 = arith.sitofp %abs3A_479 : vector<16xi32> to vector<16xf32>
    %bitcast_convert_type3A_481 = tpu.bitcast %convert_element_type3A_480 : vector<16xf32> -> vector<16xi32>
    %shift_right_arithmetic3A_482 = arith.constant 23 : i32
    %shift_right_arithmetic3A_483 = vector.broadcast %shift_right_arithmetic3A_482 : i32 to vector<16xi32>
    %shift_right_arithmetic3A_484 = arith.shrsi %bitcast_convert_type3A_481, %shift_right_arithmetic3A_483 : vector<16xi32>
    %sub3A_485 = arith.constant 127 : i32
    %sub3A_486 = vector.broadcast %sub3A_485 : i32 to vector<16xi32>
    %sub3A_487 = arith.subi %shift_right_arithmetic3A_484, %sub3A_486 : vector<16xi32>
    %mul3A_488 = arith.constant 2 : i32
    %mul3A_489 = vector.broadcast %mul3A_488 : i32 to vector<16xi32>
    %mul3A_490 = arith.muli %sub3A_487, %mul3A_489 : vector<16xi32>
    %and3A_491 = arith.constant 8388607 : i32
    %and3A_492 = vector.broadcast %and3A_491 : i32 to vector<16xi32>
    %and3A_493 = arith.andi %bitcast_convert_type3A_481, %and3A_492 : vector<16xi32>
    %ge3A_494 = arith.constant 3474676 : i32
    %ge3A_495 = vector.broadcast %ge3A_494 : i32 to vector<16xi32>
    %ge3A_496 = arith.cmpi sge, %and3A_493, %ge3A_495 : vector<16xi32>
    %jit3A_497 = arith.constant 1 : i32
    %jit3A_498 = arith.constant 0 : i32
    %broadcast_in_dim3A_499 = vector.broadcast %jit3A_497 : i32 to vector<16xi32>
    %broadcast_in_dim3A_500 = vector.broadcast %jit3A_498 : i32 to vector<16xi32>
    %select_n3A_501 = arith.select %ge3A_496, %broadcast_in_dim3A_499, %broadcast_in_dim3A_500 : vector<16xi1>, vector<16xi32>
    %add3A_502 = arith.constant 2 : i32
    %add3A_503 = vector.broadcast %add3A_502 : i32 to vector<16xi32>
    %add3A_504 = arith.addi %add3A_503, %mul3A_490 : vector<16xi32>
    %add3A_505 = arith.addi %add3A_504, %select_n3A_501 : vector<16xi32>
    %min3A_506 = arith.constant 15 : i32
    %min3A_507 = vector.broadcast %min3A_506 : i32 to vector<16xi32>
    %min3A_508 = arith.minsi %add3A_505, %min3A_507 : vector<16xi32>
    %lt3A_509 = arith.constant 8 : i32
    %lt3A_510 = vector.broadcast %lt3A_509 : i32 to vector<16xi32>
    %lt3A_511 = arith.cmpi slt, %abs3A_479, %lt3A_510 : vector<16xi32>
    %select_n3A_512 = arith.select %lt3A_511, %abs3A_479, %min3A_508 : vector<16xi1>, vector<16xi32>
    %add3A_513 = arith.addi %select_n3A_478, %select_n3A_512 : vector<16xi32>
    %swap3A_514 = arith.constant 1 : i32
    %swap3A_515 = arith.index_cast %swap3A_514 : i32 to index
    %swap3A_516 = arith.constant 48 : index
    %swap3A_517 = tpu.vector_load %arg4[%swap3A_515, %swap3A_516] {strides = array<i32>} : memref<2x80xi32, #tpu.memory_space<vmem>>, vector<1x16xi32>,
    %swap3A_518 = vector.shape_cast %swap3A_517 : vector<1x16xi32> to vector<16xi32>
    %swap3A_519 = vector.shape_cast %add3A_513 : vector<16xi32> to vector<1x16xi32>
    tpu.vector_store %arg4[%swap3A_515, %swap3A_516], %swap3A_519 {strides = array<i32>} : memref<2x80xi32, #tpu.memory_space<vmem>>, vector<1x16xi32>,
    %add3A_520 = arith.constant 80 : i32
    %add3A_521 = arith.addi %mul3A_2, %add3A_520 : i32
    %add3A_522 = arith.constant 64 : i32
    %add3A_523 = arith.addi %add3A_521, %add3A_522 : i32
    %iota3A_524 = tpu.iota {dimensions = array<i32: 0>} : vector<16xi32>
    %add3A_525 = vector.broadcast %add3A_523 : i32 to vector<16xi32>
    %add3A_526 = arith.addi %add3A_525, %iota3A_524 : vector<16xi32>
    %sub3A_527 = arith.constant 2303 : i32
    %sub3A_528 = vector.broadcast %sub3A_527 : i32 to vector<16xi32>
    %sub3A_529 = arith.subi %sub3A_528, %add3A_526 : vector<16xi32>
    %lt3A_530 = arith.constant 0 : i32
    %lt3A_531 = vector.broadcast %lt3A_530 : i32 to vector<16xi32>
    %lt3A_532 = arith.cmpi slt, %sub3A_529, %lt3A_531 : vector<16xi32>
    %jit3A_533 = arith.constant 16 : i32
    %jit3A_534 = arith.constant 0 : i32
    %broadcast_in_dim3A_535 = vector.broadcast %jit3A_533 : i32 to vector<16xi32>
    %broadcast_in_dim3A_536 = vector.broadcast %jit3A_534 : i32 to vector<16xi32>
    %select_n3A_537 = arith.select %lt3A_532, %broadcast_in_dim3A_535, %broadcast_in_dim3A_536 : vector<16xi1>, vector<16xi32>
    %abs3A_538 = math.absi %sub3A_529 : vector<16xi32>
    %convert_element_type3A_539 = arith.sitofp %abs3A_538 : vector<16xi32> to vector<16xf32>
    %bitcast_convert_type3A_540 = tpu.bitcast %convert_element_type3A_539 : vector<16xf32> -> vector<16xi32>
    %shift_right_arithmetic3A_541 = arith.constant 23 : i32
    %shift_right_arithmetic3A_542 = vector.broadcast %shift_right_arithmetic3A_541 : i32 to vector<16xi32>
    %shift_right_arithmetic3A_543 = arith.shrsi %bitcast_convert_type3A_540, %shift_right_arithmetic3A_542 : vector<16xi32>
    %sub3A_544 = arith.constant 127 : i32
    %sub3A_545 = vector.broadcast %sub3A_544 : i32 to vector<16xi32>
    %sub3A_546 = arith.subi %shift_right_arithmetic3A_543, %sub3A_545 : vector<16xi32>
    %mul3A_547 = arith.constant 2 : i32
    %mul3A_548 = vector.broadcast %mul3A_547 : i32 to vector<16xi32>
    %mul3A_549 = arith.muli %sub3A_546, %mul3A_548 : vector<16xi32>
    %and3A_550 = arith.constant 8388607 : i32
    %and3A_551 = vector.broadcast %and3A_550 : i32 to vector<16xi32>
    %and3A_552 = arith.andi %bitcast_convert_type3A_540, %and3A_551 : vector<16xi32>
    %ge3A_553 = arith.constant 3474676 : i32
    %ge3A_554 = vector.broadcast %ge3A_553 : i32 to vector<16xi32>
    %ge3A_555 = arith.cmpi sge, %and3A_552, %ge3A_554 : vector<16xi32>
    %jit3A_556 = arith.constant 1 : i32
    %jit3A_557 = arith.constant 0 : i32
    %broadcast_in_dim3A_558 = vector.broadcast %jit3A_556 : i32 to vector<16xi32>
    %broadcast_in_dim3A_559 = vector.broadcast %jit3A_557 : i32 to vector<16xi32>
    %select_n3A_560 = arith.select %ge3A_555, %broadcast_in_dim3A_558, %broadcast_in_dim3A_559 : vector<16xi1>, vector<16xi32>
    %add3A_561 = arith.constant 2 : i32
    %add3A_562 = vector.broadcast %add3A_561 : i32 to vector<16xi32>
    %add3A_563 = arith.addi %add3A_562, %mul3A_549 : vector<16xi32>
    %add3A_564 = arith.addi %add3A_563, %select_n3A_560 : vector<16xi32>
    %min3A_565 = arith.constant 15 : i32
    %min3A_566 = vector.broadcast %min3A_565 : i32 to vector<16xi32>
    %min3A_567 = arith.minsi %add3A_564, %min3A_566 : vector<16xi32>
    %lt3A_568 = arith.constant 8 : i32
    %lt3A_569 = vector.broadcast %lt3A_568 : i32 to vector<16xi32>
    %lt3A_570 = arith.cmpi slt, %abs3A_538, %lt3A_569 : vector<16xi32>
    %select_n3A_571 = arith.select %lt3A_570, %abs3A_538, %min3A_567 : vector<16xi1>, vector<16xi32>
    %add3A_572 = arith.addi %select_n3A_537, %select_n3A_571 : vector<16xi32>
    %swap3A_573 = arith.constant 1 : i32
    %swap3A_574 = arith.index_cast %swap3A_573 : i32 to index
    %swap3A_575 = arith.constant 64 : index
    %swap3A_576 = tpu.vector_load %arg4[%swap3A_574, %swap3A_575] {strides = array<i32>} : memref<2x80xi32, #tpu.memory_space<vmem>>, vector<1x16xi32>,
    %swap3A_577 = vector.shape_cast %swap3A_576 : vector<1x16xi32> to vector<16xi32>
    %swap3A_578 = vector.shape_cast %add3A_572 : vector<16xi32> to vector<1x16xi32>
    tpu.vector_store %arg4[%swap3A_574, %swap3A_575], %swap3A_578 {strides = array<i32>} : memref<2x80xi32, #tpu.memory_space<vmem>>, vector<1x16xi32>,
    %dma_start3A = arith.constant 0 : i32
    %dma_start3A_579 = arith.constant 0 : i32
    %dma_start3A_580 = arith.constant 0 : i32
    %dma_start3A_581 = arith.constant 0 : i32
    %dma_start3A_582 = tpu.memref_slice %arg5[%dma_start3A_579, %dma_start3A_580, %dma_start3A_581] : memref<2x80x128xf32, #tpu.memory_space<vmem>> -> memref<1x80x128xf32, #tpu.memory_space<vmem>>
    %dma_start3A_583 = tpu.memref_squeeze %dma_start3A_582 : memref<1x80x128xf32, #tpu.memory_space<vmem>> -> memref<80x128xf32, #tpu.memory_space<vmem>>
    %dma_start3A_584 = arith.constant 0 : i32
    %dma_start3A_585 = tpu.memref_slice %arg4[%dma_start3A, %dma_start3A_584] : memref<2x80xi32, #tpu.memory_space<vmem>> -> memref<1x80xi32, #tpu.memory_space<vmem>>
    %dma_start3A_586 = tpu.memref_squeeze %dma_start3A_585 : memref<1x80xi32, #tpu.memory_space<vmem>> -> memref<80xi32, #tpu.memory_space<vmem>>
    %dma_start3A_587 = arith.constant 0 : i32
    %dma_start3A_588 = arith.constant 0 : i32
    %dma_start3A_589 = tpu.memref_slice %arg2[%dma_start3A_587, %dma_start3A_588] : memref<32x128xf32, #tpu.memory_space<hbm>> -> memref<32x128xf32, #tpu.memory_space<hbm>>
    tpu.enqueue_indirect_dma source(%dma_start3A_589 : memref<32x128xf32, #tpu.memory_space<hbm>>) target(%dma_start3A_583 : memref<80x128xf32, #tpu.memory_space<vmem>>) offsets(%dma_start3A_586 : memref<80xi32, #tpu.memory_space<vmem>>) semaphore(%arg6 : memref<!tpu.dma_semaphore, #tpu.memory_space<semaphore_mem>>)
    %dma_start3A_590 = arith.constant 1 : i32
    %dma_start3A_591 = arith.constant 1 : i32
    %dma_start3A_592 = arith.constant 0 : i32
    %dma_start3A_593 = arith.constant 0 : i32
    %dma_start3A_594 = tpu.memref_slice %arg5[%dma_start3A_591, %dma_start3A_592, %dma_start3A_593] : memref<2x80x128xf32, #tpu.memory_space<vmem>> -> memref<1x80x128xf32, #tpu.memory_space<vmem>>
    %dma_start3A_595 = tpu.memref_squeeze %dma_start3A_594 : memref<1x80x128xf32, #tpu.memory_space<vmem>> -> memref<80x128xf32, #tpu.memory_space<vmem>>
    %dma_start3A_596 = arith.constant 0 : i32
    %dma_start3A_597 = tpu.memref_slice %arg4[%dma_start3A_590, %dma_start3A_596] : memref<2x80xi32, #tpu.memory_space<vmem>> -> memref<1x80xi32, #tpu.memory_space<vmem>>
    %dma_start3A_598 = tpu.memref_squeeze %dma_start3A_597 : memref<1x80xi32, #tpu.memory_space<vmem>> -> memref<80xi32, #tpu.memory_space<vmem>>
    %dma_start3A_599 = arith.constant 0 : i32
    %dma_start3A_600 = arith.constant 0 : i32
    %dma_start3A_601 = tpu.memref_slice %arg2[%dma_start3A_599, %dma_start3A_600] : memref<32x128xf32, #tpu.memory_space<hbm>> -> memref<32x128xf32, #tpu.memory_space<hbm>>
    tpu.enqueue_indirect_dma source(%dma_start3A_601 : memref<32x128xf32, #tpu.memory_space<hbm>>) target(%dma_start3A_595 : memref<80x128xf32, #tpu.memory_space<vmem>>) offsets(%dma_start3A_598 : memref<80xi32, #tpu.memory_space<vmem>>) semaphore(%arg6 : memref<!tpu.dma_semaphore, #tpu.memory_space<semaphore_mem>>)
    %dma_wait3A = arith.constant 0 : i32
    %dma_wait3A_602 = arith.constant 0 : i32
    %dma_wait3A_603 = arith.constant 0 : i32
    %dma_wait3A_604 = arith.constant 0 : i32
    %dma_wait3A_605 = tpu.memref_slice %arg5[%dma_wait3A_602, %dma_wait3A_603, %dma_wait3A_604] : memref<2x80x128xf32, #tpu.memory_space<vmem>> -> memref<1x80x128xf32, #tpu.memory_space<vmem>>
    %dma_wait3A_606 = tpu.memref_squeeze %dma_wait3A_605 : memref<1x80x128xf32, #tpu.memory_space<vmem>> -> memref<80x128xf32, #tpu.memory_space<vmem>>
    %dma_wait3A_607 = arith.constant 0 : i32
    %dma_wait3A_608 = tpu.memref_slice %arg4[%dma_wait3A, %dma_wait3A_607] : memref<2x80xi32, #tpu.memory_space<vmem>> -> memref<1x80xi32, #tpu.memory_space<vmem>>
    %dma_wait3A_609 = tpu.memref_squeeze %dma_wait3A_608 : memref<1x80xi32, #tpu.memory_space<vmem>> -> memref<80xi32, #tpu.memory_space<vmem>>
    %dma_wait3A_610 = arith.constant 0 : i32
    %dma_wait3A_611 = arith.constant 0 : i32
    %dma_wait3A_612 = tpu.memref_slice %arg2[%dma_wait3A_610, %dma_wait3A_611] : memref<32x128xf32, #tpu.memory_space<hbm>> -> memref<32x128xf32, #tpu.memory_space<hbm>>
    tpu.wait_indirect_dma semaphore(%arg6 : memref<!tpu.dma_semaphore, #tpu.memory_space<semaphore_mem>>) src(%dma_wait3A_612 : memref<32x128xf32, #tpu.memory_space<hbm>>) dst(%dma_wait3A_606 : memref<80x128xf32, #tpu.memory_space<vmem>>)
    %dma_wait3A_613 = arith.constant 1 : i32
    %dma_wait3A_614 = arith.constant 1 : i32
    %dma_wait3A_615 = arith.constant 0 : i32
    %dma_wait3A_616 = arith.constant 0 : i32
    %dma_wait3A_617 = tpu.memref_slice %arg5[%dma_wait3A_614, %dma_wait3A_615, %dma_wait3A_616] : memref<2x80x128xf32, #tpu.memory_space<vmem>> -> memref<1x80x128xf32, #tpu.memory_space<vmem>>
    %dma_wait3A_618 = tpu.memref_squeeze %dma_wait3A_617 : memref<1x80x128xf32, #tpu.memory_space<vmem>> -> memref<80x128xf32, #tpu.memory_space<vmem>>
    %dma_wait3A_619 = arith.constant 0 : i32
    %dma_wait3A_620 = tpu.memref_slice %arg4[%dma_wait3A_613, %dma_wait3A_619] : memref<2x80xi32, #tpu.memory_space<vmem>> -> memref<1x80xi32, #tpu.memory_space<vmem>>
    %dma_wait3A_621 = tpu.memref_squeeze %dma_wait3A_620 : memref<1x80xi32, #tpu.memory_space<vmem>> -> memref<80xi32, #tpu.memory_space<vmem>>
    %dma_wait3A_622 = arith.constant 0 : i32
    %dma_wait3A_623 = arith.constant 0 : i32
    %dma_wait3A_624 = tpu.memref_slice %arg2[%dma_wait3A_622, %dma_wait3A_623] : memref<32x128xf32, #tpu.memory_space<hbm>> -> memref<32x128xf32, #tpu.memory_space<hbm>>
    tpu.wait_indirect_dma semaphore(%arg6 : memref<!tpu.dma_semaphore, #tpu.memory_space<semaphore_mem>>) src(%dma_wait3A_624 : memref<32x128xf32, #tpu.memory_space<hbm>>) dst(%dma_wait3A_618 : memref<80x128xf32, #tpu.memory_space<vmem>>)
    %add3A_625 = arith.constant 0 : i32
    %add3A_626 = arith.addi %mul3A_2, %add3A_625 : i32
    %run_scoped3A = arith.constant 0 : i32
    "tpu.region"() ({
      %run_scoped3A_630 = tpu.sem_alloc : memref<!tpu.dma_semaphore, #tpu.memory_space<semaphore_mem>>
      %dma_start3A_631 = arith.constant 0 : i32
      %dma_start3A_632 = arith.constant 0 : i32
      %dma_start3A_633 = tpu.memref_slice %arg5[%run_scoped3A, %dma_start3A_631, %dma_start3A_632] : memref<2x80x128xf32, #tpu.memory_space<vmem>> -> memref<1x80x128xf32, #tpu.memory_space<vmem>>
      %dma_start3A_634 = tpu.memref_squeeze %dma_start3A_633 : memref<1x80x128xf32, #tpu.memory_space<vmem>> -> memref<80x128xf32, #tpu.memory_space<vmem>>
      %dma_start3A_635 = arith.constant 0 : i32
      %dma_start3A_636 = tpu.memref_slice %arg3[%add3A_626, %dma_start3A_635] : memref<5120x128xf32, #tpu.memory_space<hbm>> -> memref<80x128xf32, #tpu.memory_space<hbm>>
      %dma_start3A_637 = arith.constant 0 : i32
      %dma_start3A_638 = tpu.memref_slice %arg3[%add3A_626, %dma_start3A_637] : memref<5120x128xf32, #tpu.memory_space<hbm>> -> memref<80x128xf32, #tpu.memory_space<hbm>>
      %dma_start3A_639 = arith.constant 0 : i32
      %dma_start3A_640 = arith.constant 0 : i32
      %dma_start3A_641 = tpu.memref_slice %arg5[%run_scoped3A, %dma_start3A_639, %dma_start3A_640] : memref<2x80x128xf32, #tpu.memory_space<vmem>> -> memref<1x80x128xf32, #tpu.memory_space<vmem>>
      %dma_start3A_642 = tpu.memref_squeeze %dma_start3A_641 : memref<1x80x128xf32, #tpu.memory_space<vmem>> -> memref<80x128xf32, #tpu.memory_space<vmem>>
      tpu.enqueue_dma source(%dma_start3A_642 : memref<80x128xf32, #tpu.memory_space<vmem>>) target(%dma_start3A_638 : memref<80x128xf32, #tpu.memory_space<hbm>>) target_semaphore(%run_scoped3A_630 : memref<!tpu.dma_semaphore, #tpu.memory_space<semaphore_mem>>)
      %dma_wait3A_643 = arith.constant 0 : i32
      %dma_wait3A_644 = arith.constant 0 : i32
      %dma_wait3A_645 = tpu.memref_slice %arg5[%run_scoped3A, %dma_wait3A_643, %dma_wait3A_644] : memref<2x80x128xf32, #tpu.memory_space<vmem>> -> memref<1x80x128xf32, #tpu.memory_space<vmem>>
      %dma_wait3A_646 = tpu.memref_squeeze %dma_wait3A_645 : memref<1x80x128xf32, #tpu.memory_space<vmem>> -> memref<80x128xf32, #tpu.memory_space<vmem>>
      %dma_wait3A_647 = arith.constant 0 : i32
      %dma_wait3A_648 = tpu.memref_slice %arg3[%add3A_626, %dma_wait3A_647] : memref<5120x128xf32, #tpu.memory_space<hbm>> -> memref<80x128xf32, #tpu.memory_space<hbm>>
      %dma_wait3A_649 = arith.constant 0 : i32
      %dma_wait3A_650 = tpu.memref_slice %arg3[%add3A_626, %dma_wait3A_649] : memref<5120x128xf32, #tpu.memory_space<hbm>> -> memref<80x128xf32, #tpu.memory_space<hbm>>
      %dma_wait3A_651 = arith.constant 0 : i32
      %dma_wait3A_652 = arith.constant 0 : i32
      %dma_wait3A_653 = tpu.memref_slice %arg5[%run_scoped3A, %dma_wait3A_651, %dma_wait3A_652] : memref<2x80x128xf32, #tpu.memory_space<vmem>> -> memref<1x80x128xf32, #tpu.memory_space<vmem>>
      %dma_wait3A_654 = tpu.memref_squeeze %dma_wait3A_653 : memref<1x80x128xf32, #tpu.memory_space<vmem>> -> memref<80x128xf32, #tpu.memory_space<vmem>>
      tpu.wait_dma2 semaphore(%run_scoped3A_630 : memref<!tpu.dma_semaphore, #tpu.memory_space<semaphore_mem>>) src(%dma_wait3A_654 : memref<80x128xf32, #tpu.memory_space<vmem>>) dst(%dma_wait3A_650 : memref<80x128xf32, #tpu.memory_space<hbm>>)
      tpu.yield
    }) : () -> ()
    %add3A_627 = arith.constant 80 : i32
    %add3A_628 = arith.addi %mul3A_2, %add3A_627 : i32
    %run_scoped3A_629 = arith.constant 1 : i32
    "tpu.region"() ({
      %run_scoped3A_630 = tpu.sem_alloc : memref<!tpu.dma_semaphore, #tpu.memory_space<semaphore_mem>>
      %dma_start3A_631 = arith.constant 0 : i32
      %dma_start3A_632 = arith.constant 0 : i32
      %dma_start3A_633 = tpu.memref_slice %arg5[%run_scoped3A_629, %dma_start3A_631, %dma_start3A_632] : memref<2x80x128xf32, #tpu.memory_space<vmem>> -> memref<1x80x128xf32, #tpu.memory_space<vmem>>
      %dma_start3A_634 = tpu.memref_squeeze %dma_start3A_633 : memref<1x80x128xf32, #tpu.memory_space<vmem>> -> memref<80x128xf32, #tpu.memory_space<vmem>>
      %dma_start3A_635 = arith.constant 0 : i32
      %dma_start3A_636 = tpu.memref_slice %arg3[%add3A_628, %dma_start3A_635] : memref<5120x128xf32, #tpu.memory_space<hbm>> -> memref<80x128xf32, #tpu.memory_space<hbm>>
      %dma_start3A_637 = arith.constant 0 : i32
      %dma_start3A_638 = tpu.memref_slice %arg3[%add3A_628, %dma_start3A_637] : memref<5120x128xf32, #tpu.memory_space<hbm>> -> memref<80x128xf32, #tpu.memory_space<hbm>>
      %dma_start3A_639 = arith.constant 0 : i32
      %dma_start3A_640 = arith.constant 0 : i32
      %dma_start3A_641 = tpu.memref_slice %arg5[%run_scoped3A_629, %dma_start3A_639, %dma_start3A_640] : memref<2x80x128xf32, #tpu.memory_space<vmem>> -> memref<1x80x128xf32, #tpu.memory_space<vmem>>
      %dma_start3A_642 = tpu.memref_squeeze %dma_start3A_641 : memref<1x80x128xf32, #tpu.memory_space<vmem>> -> memref<80x128xf32, #tpu.memory_space<vmem>>
      tpu.enqueue_dma source(%dma_start3A_642 : memref<80x128xf32, #tpu.memory_space<vmem>>) target(%dma_start3A_638 : memref<80x128xf32, #tpu.memory_space<hbm>>) target_semaphore(%run_scoped3A_630 : memref<!tpu.dma_semaphore, #tpu.memory_space<semaphore_mem>>)
      %dma_wait3A_643 = arith.constant 0 : i32
      %dma_wait3A_644 = arith.constant 0 : i32
      %dma_wait3A_645 = tpu.memref_slice %arg5[%run_scoped3A_629, %dma_wait3A_643, %dma_wait3A_644] : memref<2x80x128xf32, #tpu.memory_space<vmem>> -> memref<1x80x128xf32, #tpu.memory_space<vmem>>
      %dma_wait3A_646 = tpu.memref_squeeze %dma_wait3A_645 : memref<1x80x128xf32, #tpu.memory_space<vmem>> -> memref<80x128xf32, #tpu.memory_space<vmem>>
      %dma_wait3A_647 = arith.constant 0 : i32
      %dma_wait3A_648 = tpu.memref_slice %arg3[%add3A_628, %dma_wait3A_647] : memref<5120x128xf32, #tpu.memory_space<hbm>> -> memref<80x128xf32, #tpu.memory_space<hbm>>
      %dma_wait3A_649 = arith.constant 0 : i32
      %dma_wait3A_650 = tpu.memref_slice %arg3[%add3A_628, %dma_wait3A_649] : memref<5120x128xf32, #tpu.memory_space<hbm>> -> memref<80x128xf32, #tpu.memory_space<hbm>>
      %dma_wait3A_651 = arith.constant 0 : i32
      %dma_wait3A_652 = arith.constant 0 : i32
      %dma_wait3A_653 = tpu.memref_slice %arg5[%run_scoped3A_629, %dma_wait3A_651, %dma_wait3A_652] : memref<2x80x128xf32, #tpu.memory_space<vmem>> -> memref<1x80x128xf32, #tpu.memory_space<vmem>>
      %dma_wait3A_654 = tpu.memref_squeeze %dma_wait3A_653 : memref<1x80x128xf32, #tpu.memory_space<vmem>> -> memref<80x128xf32, #tpu.memory_space<vmem>>
      tpu.wait_dma2 semaphore(%run_scoped3A_630 : memref<!tpu.dma_semaphore, #tpu.memory_space<semaphore_mem>>) src(%dma_wait3A_654 : memref<80x128xf32, #tpu.memory_space<vmem>>) dst(%dma_wait3A_650 : memref<80x128xf32, #tpu.memory_space<hbm>>)
      tpu.yield
    }) : () -> ()
    return
  }
}

module attributes {stable_mosaic.version = 14 : i64} {
  func.func @_fill_kernel(%arg0: i32, %arg1: memref<1x1x5120xf32, #tpu.memory_space<vmem>>, %arg2: memref<16x2048x2048xf32, #tpu.memory_space<any>>, %arg3: memref<8x4352xf32, #tpu.memory_space<vmem>>, %arg4: memref<2x128x4096xf32, #tpu.memory_space<vmem>>, %arg5: memref<2x!tpu.dma_semaphore, #tpu.memory_space<semaphore_mem>>) attributes {dimension_semantics = [#tpu.dimension_semantics<arbitrary>], iteration_bounds = array<i64: 16>, scalar_prefetch = 0 : i64, scratch_operands = 3 : i64, tpu.core_type = #tpu.core_type<tc>, window_params = [{transform_indices = @transform_0, window_bounds = array<i64: 1, 1, 5120>}, {}]} {
    %rem3A = arith.constant 2 : i32
    %rem3A_0 = arith.remsi %arg0, %rem3A : i32
    %ge3A = arith.constant 2 : i32
    %ge3A_1 = arith.cmpi sge, %arg0, %ge3A : i32
    %convert_element_type3A = arith.extui %ge3A_1 : i1 to i32
    %cond3A = arith.constant 0 : i32
    %cond3A_2 = arith.cmpi ne, %convert_element_type3A, %cond3A : i32
    scf.if %cond3A_2 {
      %sub3A = arith.constant 2 : i32
      %sub3A_372 = arith.subi %arg0, %sub3A : i32
      %dma_wait3A = tpu.memref_slice %arg5[%rem3A_0] : memref<2x!tpu.dma_semaphore, #tpu.memory_space<semaphore_mem>> -> memref<1x!tpu.dma_semaphore, #tpu.memory_space<semaphore_mem>>
      %dma_wait3A_373 = tpu.memref_squeeze %dma_wait3A : memref<1x!tpu.dma_semaphore, #tpu.memory_space<semaphore_mem>> -> memref<!tpu.dma_semaphore, #tpu.memory_space<semaphore_mem>>
      %dma_wait3A_374 = arith.constant 0 : i32
      %dma_wait3A_375 = arith.constant 0 : i32
      %dma_wait3A_376 = tpu.memref_slice %arg2[%sub3A_372, %dma_wait3A_374, %dma_wait3A_375] : memref<16x2048x2048xf32, #tpu.memory_space<any>> -> memref<1x128x2048xf32, #tpu.memory_space<any>>
      %dma_wait3A_377 = tpu.memref_squeeze %dma_wait3A_376 : memref<1x128x2048xf32, #tpu.memory_space<any>> -> memref<128x2048xf32, #tpu.memory_space<any>>
      %dma_wait3A_378 = arith.constant 0 : i32
      %dma_wait3A_379 = arith.constant 1920 : i32
      %dma_wait3A_380 = tpu.memref_slice %arg4[%rem3A_0, %dma_wait3A_378, %dma_wait3A_379] : memref<2x128x4096xf32, #tpu.memory_space<vmem>> -> memref<1x128x2048xf32, #tpu.memory_space<vmem>>
      %dma_wait3A_381 = tpu.memref_squeeze %dma_wait3A_380 : memref<1x128x2048xf32, #tpu.memory_space<vmem>> -> memref<128x2048xf32, #tpu.memory_space<vmem>>
      tpu.wait_dma2 semaphore(%dma_wait3A_373 : memref<!tpu.dma_semaphore, #tpu.memory_space<semaphore_mem>>) src(%dma_wait3A_381 : memref<128x2048xf32, #tpu.memory_space<vmem>>) dst(%dma_wait3A_377 : memref<128x2048xf32, #tpu.memory_space<any>>)
      %sub3A_382 = arith.constant 2 : i32
      %sub3A_383 = arith.subi %arg0, %sub3A_382 : i32
      %dma_wait3A_384 = tpu.memref_slice %arg5[%rem3A_0] : memref<2x!tpu.dma_semaphore, #tpu.memory_space<semaphore_mem>> -> memref<1x!tpu.dma_semaphore, #tpu.memory_space<semaphore_mem>>
      %dma_wait3A_385 = tpu.memref_squeeze %dma_wait3A_384 : memref<1x!tpu.dma_semaphore, #tpu.memory_space<semaphore_mem>> -> memref<!tpu.dma_semaphore, #tpu.memory_space<semaphore_mem>>
      %dma_wait3A_386 = arith.constant 128 : i32
      %dma_wait3A_387 = arith.constant 0 : i32
      %dma_wait3A_388 = tpu.memref_slice %arg2[%sub3A_383, %dma_wait3A_386, %dma_wait3A_387] : memref<16x2048x2048xf32, #tpu.memory_space<any>> -> memref<1x128x2048xf32, #tpu.memory_space<any>>
      %dma_wait3A_389 = tpu.memref_squeeze %dma_wait3A_388 : memref<1x128x2048xf32, #tpu.memory_space<any>> -> memref<128x2048xf32, #tpu.memory_space<any>>
      %dma_wait3A_390 = arith.constant 0 : i32
      %dma_wait3A_391 = arith.constant 1792 : i32
      %dma_wait3A_392 = tpu.memref_slice %arg4[%rem3A_0, %dma_wait3A_390, %dma_wait3A_391] : memref<2x128x4096xf32, #tpu.memory_space<vmem>> -> memref<1x128x2048xf32, #tpu.memory_space<vmem>>
      %dma_wait3A_393 = tpu.memref_squeeze %dma_wait3A_392 : memref<1x128x2048xf32, #tpu.memory_space<vmem>> -> memref<128x2048xf32, #tpu.memory_space<vmem>>
      tpu.wait_dma2 semaphore(%dma_wait3A_385 : memref<!tpu.dma_semaphore, #tpu.memory_space<semaphore_mem>>) src(%dma_wait3A_393 : memref<128x2048xf32, #tpu.memory_space<vmem>>) dst(%dma_wait3A_389 : memref<128x2048xf32, #tpu.memory_space<any>>)
      %sub3A_394 = arith.constant 2 : i32
      %sub3A_395 = arith.subi %arg0, %sub3A_394 : i32
      %dma_wait3A_396 = tpu.memref_slice %arg5[%rem3A_0] : memref<2x!tpu.dma_semaphore, #tpu.memory_space<semaphore_mem>> -> memref<1x!tpu.dma_semaphore, #tpu.memory_space<semaphore_mem>>
      %dma_wait3A_397 = tpu.memref_squeeze %dma_wait3A_396 : memref<1x!tpu.dma_semaphore, #tpu.memory_space<semaphore_mem>> -> memref<!tpu.dma_semaphore, #tpu.memory_space<semaphore_mem>>
      %dma_wait3A_398 = arith.constant 256 : i32
      %dma_wait3A_399 = arith.constant 0 : i32
      %dma_wait3A_400 = tpu.memref_slice %arg2[%sub3A_395, %dma_wait3A_398, %dma_wait3A_399] : memref<16x2048x2048xf32, #tpu.memory_space<any>> -> memref<1x128x2048xf32, #tpu.memory_space<any>>
      %dma_wait3A_401 = tpu.memref_squeeze %dma_wait3A_400 : memref<1x128x2048xf32, #tpu.memory_space<any>> -> memref<128x2048xf32, #tpu.memory_space<any>>
      %dma_wait3A_402 = arith.constant 0 : i32
      %dma_wait3A_403 = arith.constant 1664 : i32
      %dma_wait3A_404 = tpu.memref_slice %arg4[%rem3A_0, %dma_wait3A_402, %dma_wait3A_403] : memref<2x128x4096xf32, #tpu.memory_space<vmem>> -> memref<1x128x2048xf32, #tpu.memory_space<vmem>>
      %dma_wait3A_405 = tpu.memref_squeeze %dma_wait3A_404 : memref<1x128x2048xf32, #tpu.memory_space<vmem>> -> memref<128x2048xf32, #tpu.memory_space<vmem>>
      tpu.wait_dma2 semaphore(%dma_wait3A_397 : memref<!tpu.dma_semaphore, #tpu.memory_space<semaphore_mem>>) src(%dma_wait3A_405 : memref<128x2048xf32, #tpu.memory_space<vmem>>) dst(%dma_wait3A_401 : memref<128x2048xf32, #tpu.memory_space<any>>)
      %sub3A_406 = arith.constant 2 : i32
      %sub3A_407 = arith.subi %arg0, %sub3A_406 : i32
      %dma_wait3A_408 = tpu.memref_slice %arg5[%rem3A_0] : memref<2x!tpu.dma_semaphore, #tpu.memory_space<semaphore_mem>> -> memref<1x!tpu.dma_semaphore, #tpu.memory_space<semaphore_mem>>
      %dma_wait3A_409 = tpu.memref_squeeze %dma_wait3A_408 : memref<1x!tpu.dma_semaphore, #tpu.memory_space<semaphore_mem>> -> memref<!tpu.dma_semaphore, #tpu.memory_space<semaphore_mem>>
      %dma_wait3A_410 = arith.constant 384 : i32
      %dma_wait3A_411 = arith.constant 0 : i32
      %dma_wait3A_412 = tpu.memref_slice %arg2[%sub3A_407, %dma_wait3A_410, %dma_wait3A_411] : memref<16x2048x2048xf32, #tpu.memory_space<any>> -> memref<1x128x2048xf32, #tpu.memory_space<any>>
      %dma_wait3A_413 = tpu.memref_squeeze %dma_wait3A_412 : memref<1x128x2048xf32, #tpu.memory_space<any>> -> memref<128x2048xf32, #tpu.memory_space<any>>
      %dma_wait3A_414 = arith.constant 0 : i32
      %dma_wait3A_415 = arith.constant 1536 : i32
      %dma_wait3A_416 = tpu.memref_slice %arg4[%rem3A_0, %dma_wait3A_414, %dma_wait3A_415] : memref<2x128x4096xf32, #tpu.memory_space<vmem>> -> memref<1x128x2048xf32, #tpu.memory_space<vmem>>
      %dma_wait3A_417 = tpu.memref_squeeze %dma_wait3A_416 : memref<1x128x2048xf32, #tpu.memory_space<vmem>> -> memref<128x2048xf32, #tpu.memory_space<vmem>>
      tpu.wait_dma2 semaphore(%dma_wait3A_409 : memref<!tpu.dma_semaphore, #tpu.memory_space<semaphore_mem>>) src(%dma_wait3A_417 : memref<128x2048xf32, #tpu.memory_space<vmem>>) dst(%dma_wait3A_413 : memref<128x2048xf32, #tpu.memory_space<any>>)
      %sub3A_418 = arith.constant 2 : i32
      %sub3A_419 = arith.subi %arg0, %sub3A_418 : i32
      %dma_wait3A_420 = tpu.memref_slice %arg5[%rem3A_0] : memref<2x!tpu.dma_semaphore, #tpu.memory_space<semaphore_mem>> -> memref<1x!tpu.dma_semaphore, #tpu.memory_space<semaphore_mem>>
      %dma_wait3A_421 = tpu.memref_squeeze %dma_wait3A_420 : memref<1x!tpu.dma_semaphore, #tpu.memory_space<semaphore_mem>> -> memref<!tpu.dma_semaphore, #tpu.memory_space<semaphore_mem>>
      %dma_wait3A_422 = arith.constant 512 : i32
      %dma_wait3A_423 = arith.constant 0 : i32
      %dma_wait3A_424 = tpu.memref_slice %arg2[%sub3A_419, %dma_wait3A_422, %dma_wait3A_423] : memref<16x2048x2048xf32, #tpu.memory_space<any>> -> memref<1x128x2048xf32, #tpu.memory_space<any>>
      %dma_wait3A_425 = tpu.memref_squeeze %dma_wait3A_424 : memref<1x128x2048xf32, #tpu.memory_space<any>> -> memref<128x2048xf32, #tpu.memory_space<any>>
      %dma_wait3A_426 = arith.constant 0 : i32
      %dma_wait3A_427 = arith.constant 1408 : i32
      %dma_wait3A_428 = tpu.memref_slice %arg4[%rem3A_0, %dma_wait3A_426, %dma_wait3A_427] : memref<2x128x4096xf32, #tpu.memory_space<vmem>> -> memref<1x128x2048xf32, #tpu.memory_space<vmem>>
      %dma_wait3A_429 = tpu.memref_squeeze %dma_wait3A_428 : memref<1x128x2048xf32, #tpu.memory_space<vmem>> -> memref<128x2048xf32, #tpu.memory_space<vmem>>
      tpu.wait_dma2 semaphore(%dma_wait3A_421 : memref<!tpu.dma_semaphore, #tpu.memory_space<semaphore_mem>>) src(%dma_wait3A_429 : memref<128x2048xf32, #tpu.memory_space<vmem>>) dst(%dma_wait3A_425 : memref<128x2048xf32, #tpu.memory_space<any>>)
      %sub3A_430 = arith.constant 2 : i32
      %sub3A_431 = arith.subi %arg0, %sub3A_430 : i32
      %dma_wait3A_432 = tpu.memref_slice %arg5[%rem3A_0] : memref<2x!tpu.dma_semaphore, #tpu.memory_space<semaphore_mem>> -> memref<1x!tpu.dma_semaphore, #tpu.memory_space<semaphore_mem>>
      %dma_wait3A_433 = tpu.memref_squeeze %dma_wait3A_432 : memref<1x!tpu.dma_semaphore, #tpu.memory_space<semaphore_mem>> -> memref<!tpu.dma_semaphore, #tpu.memory_space<semaphore_mem>>
      %dma_wait3A_434 = arith.constant 640 : i32
      %dma_wait3A_435 = arith.constant 0 : i32
      %dma_wait3A_436 = tpu.memref_slice %arg2[%sub3A_431, %dma_wait3A_434, %dma_wait3A_435] : memref<16x2048x2048xf32, #tpu.memory_space<any>> -> memref<1x128x2048xf32, #tpu.memory_space<any>>
      %dma_wait3A_437 = tpu.memref_squeeze %dma_wait3A_436 : memref<1x128x2048xf32, #tpu.memory_space<any>> -> memref<128x2048xf32, #tpu.memory_space<any>>
      %dma_wait3A_438 = arith.constant 0 : i32
      %dma_wait3A_439 = arith.constant 1280 : i32
      %dma_wait3A_440 = tpu.memref_slice %arg4[%rem3A_0, %dma_wait3A_438, %dma_wait3A_439] : memref<2x128x4096xf32, #tpu.memory_space<vmem>> -> memref<1x128x2048xf32, #tpu.memory_space<vmem>>
      %dma_wait3A_441 = tpu.memref_squeeze %dma_wait3A_440 : memref<1x128x2048xf32, #tpu.memory_space<vmem>> -> memref<128x2048xf32, #tpu.memory_space<vmem>>
      tpu.wait_dma2 semaphore(%dma_wait3A_433 : memref<!tpu.dma_semaphore, #tpu.memory_space<semaphore_mem>>) src(%dma_wait3A_441 : memref<128x2048xf32, #tpu.memory_space<vmem>>) dst(%dma_wait3A_437 : memref<128x2048xf32, #tpu.memory_space<any>>)
      %sub3A_442 = arith.constant 2 : i32
      %sub3A_443 = arith.subi %arg0, %sub3A_442 : i32
      %dma_wait3A_444 = tpu.memref_slice %arg5[%rem3A_0] : memref<2x!tpu.dma_semaphore, #tpu.memory_space<semaphore_mem>> -> memref<1x!tpu.dma_semaphore, #tpu.memory_space<semaphore_mem>>
      %dma_wait3A_445 = tpu.memref_squeeze %dma_wait3A_444 : memref<1x!tpu.dma_semaphore, #tpu.memory_space<semaphore_mem>> -> memref<!tpu.dma_semaphore, #tpu.memory_space<semaphore_mem>>
      %dma_wait3A_446 = arith.constant 768 : i32
      %dma_wait3A_447 = arith.constant 0 : i32
      %dma_wait3A_448 = tpu.memref_slice %arg2[%sub3A_443, %dma_wait3A_446, %dma_wait3A_447] : memref<16x2048x2048xf32, #tpu.memory_space<any>> -> memref<1x128x2048xf32, #tpu.memory_space<any>>
      %dma_wait3A_449 = tpu.memref_squeeze %dma_wait3A_448 : memref<1x128x2048xf32, #tpu.memory_space<any>> -> memref<128x2048xf32, #tpu.memory_space<any>>
      %dma_wait3A_450 = arith.constant 0 : i32
      %dma_wait3A_451 = arith.constant 1152 : i32
      %dma_wait3A_452 = tpu.memref_slice %arg4[%rem3A_0, %dma_wait3A_450, %dma_wait3A_451] : memref<2x128x4096xf32, #tpu.memory_space<vmem>> -> memref<1x128x2048xf32, #tpu.memory_space<vmem>>
      %dma_wait3A_453 = tpu.memref_squeeze %dma_wait3A_452 : memref<1x128x2048xf32, #tpu.memory_space<vmem>> -> memref<128x2048xf32, #tpu.memory_space<vmem>>
      tpu.wait_dma2 semaphore(%dma_wait3A_445 : memref<!tpu.dma_semaphore, #tpu.memory_space<semaphore_mem>>) src(%dma_wait3A_453 : memref<128x2048xf32, #tpu.memory_space<vmem>>) dst(%dma_wait3A_449 : memref<128x2048xf32, #tpu.memory_space<any>>)
      %sub3A_454 = arith.constant 2 : i32
      %sub3A_455 = arith.subi %arg0, %sub3A_454 : i32
      %dma_wait3A_456 = tpu.memref_slice %arg5[%rem3A_0] : memref<2x!tpu.dma_semaphore, #tpu.memory_space<semaphore_mem>> -> memref<1x!tpu.dma_semaphore, #tpu.memory_space<semaphore_mem>>
      %dma_wait3A_457 = tpu.memref_squeeze %dma_wait3A_456 : memref<1x!tpu.dma_semaphore, #tpu.memory_space<semaphore_mem>> -> memref<!tpu.dma_semaphore, #tpu.memory_space<semaphore_mem>>
      %dma_wait3A_458 = arith.constant 896 : i32
      %dma_wait3A_459 = arith.constant 0 : i32
      %dma_wait3A_460 = tpu.memref_slice %arg2[%sub3A_455, %dma_wait3A_458, %dma_wait3A_459] : memref<16x2048x2048xf32, #tpu.memory_space<any>> -> memref<1x128x2048xf32, #tpu.memory_space<any>>
      %dma_wait3A_461 = tpu.memref_squeeze %dma_wait3A_460 : memref<1x128x2048xf32, #tpu.memory_space<any>> -> memref<128x2048xf32, #tpu.memory_space<any>>
      %dma_wait3A_462 = arith.constant 0 : i32
      %dma_wait3A_463 = arith.constant 1024 : i32
      %dma_wait3A_464 = tpu.memref_slice %arg4[%rem3A_0, %dma_wait3A_462, %dma_wait3A_463] : memref<2x128x4096xf32, #tpu.memory_space<vmem>> -> memref<1x128x2048xf32, #tpu.memory_space<vmem>>
      %dma_wait3A_465 = tpu.memref_squeeze %dma_wait3A_464 : memref<1x128x2048xf32, #tpu.memory_space<vmem>> -> memref<128x2048xf32, #tpu.memory_space<vmem>>
      tpu.wait_dma2 semaphore(%dma_wait3A_457 : memref<!tpu.dma_semaphore, #tpu.memory_space<semaphore_mem>>) src(%dma_wait3A_465 : memref<128x2048xf32, #tpu.memory_space<vmem>>) dst(%dma_wait3A_461 : memref<128x2048xf32, #tpu.memory_space<any>>)
      %sub3A_466 = arith.constant 2 : i32
      %sub3A_467 = arith.subi %arg0, %sub3A_466 : i32
      %dma_wait3A_468 = tpu.memref_slice %arg5[%rem3A_0] : memref<2x!tpu.dma_semaphore, #tpu.memory_space<semaphore_mem>> -> memref<1x!tpu.dma_semaphore, #tpu.memory_space<semaphore_mem>>
      %dma_wait3A_469 = tpu.memref_squeeze %dma_wait3A_468 : memref<1x!tpu.dma_semaphore, #tpu.memory_space<semaphore_mem>> -> memref<!tpu.dma_semaphore, #tpu.memory_space<semaphore_mem>>
      %dma_wait3A_470 = arith.constant 1024 : i32
      %dma_wait3A_471 = arith.constant 0 : i32
      %dma_wait3A_472 = tpu.memref_slice %arg2[%sub3A_467, %dma_wait3A_470, %dma_wait3A_471] : memref<16x2048x2048xf32, #tpu.memory_space<any>> -> memref<1x128x2048xf32, #tpu.memory_space<any>>
      %dma_wait3A_473 = tpu.memref_squeeze %dma_wait3A_472 : memref<1x128x2048xf32, #tpu.memory_space<any>> -> memref<128x2048xf32, #tpu.memory_space<any>>
      %dma_wait3A_474 = arith.constant 0 : i32
      %dma_wait3A_475 = arith.constant 896 : i32
      %dma_wait3A_476 = tpu.memref_slice %arg4[%rem3A_0, %dma_wait3A_474, %dma_wait3A_475] : memref<2x128x4096xf32, #tpu.memory_space<vmem>> -> memref<1x128x2048xf32, #tpu.memory_space<vmem>>
      %dma_wait3A_477 = tpu.memref_squeeze %dma_wait3A_476 : memref<1x128x2048xf32, #tpu.memory_space<vmem>> -> memref<128x2048xf32, #tpu.memory_space<vmem>>
      tpu.wait_dma2 semaphore(%dma_wait3A_469 : memref<!tpu.dma_semaphore, #tpu.memory_space<semaphore_mem>>) src(%dma_wait3A_477 : memref<128x2048xf32, #tpu.memory_space<vmem>>) dst(%dma_wait3A_473 : memref<128x2048xf32, #tpu.memory_space<any>>)
      %sub3A_478 = arith.constant 2 : i32
      %sub3A_479 = arith.subi %arg0, %sub3A_478 : i32
      %dma_wait3A_480 = tpu.memref_slice %arg5[%rem3A_0] : memref<2x!tpu.dma_semaphore, #tpu.memory_space<semaphore_mem>> -> memref<1x!tpu.dma_semaphore, #tpu.memory_space<semaphore_mem>>
      %dma_wait3A_481 = tpu.memref_squeeze %dma_wait3A_480 : memref<1x!tpu.dma_semaphore, #tpu.memory_space<semaphore_mem>> -> memref<!tpu.dma_semaphore, #tpu.memory_space<semaphore_mem>>
      %dma_wait3A_482 = arith.constant 1152 : i32
      %dma_wait3A_483 = arith.constant 0 : i32
      %dma_wait3A_484 = tpu.memref_slice %arg2[%sub3A_479, %dma_wait3A_482, %dma_wait3A_483] : memref<16x2048x2048xf32, #tpu.memory_space<any>> -> memref<1x128x2048xf32, #tpu.memory_space<any>>
      %dma_wait3A_485 = tpu.memref_squeeze %dma_wait3A_484 : memref<1x128x2048xf32, #tpu.memory_space<any>> -> memref<128x2048xf32, #tpu.memory_space<any>>
      %dma_wait3A_486 = arith.constant 0 : i32
      %dma_wait3A_487 = arith.constant 768 : i32
      %dma_wait3A_488 = tpu.memref_slice %arg4[%rem3A_0, %dma_wait3A_486, %dma_wait3A_487] : memref<2x128x4096xf32, #tpu.memory_space<vmem>> -> memref<1x128x2048xf32, #tpu.memory_space<vmem>>
      %dma_wait3A_489 = tpu.memref_squeeze %dma_wait3A_488 : memref<1x128x2048xf32, #tpu.memory_space<vmem>> -> memref<128x2048xf32, #tpu.memory_space<vmem>>
      tpu.wait_dma2 semaphore(%dma_wait3A_481 : memref<!tpu.dma_semaphore, #tpu.memory_space<semaphore_mem>>) src(%dma_wait3A_489 : memref<128x2048xf32, #tpu.memory_space<vmem>>) dst(%dma_wait3A_485 : memref<128x2048xf32, #tpu.memory_space<any>>)
      %sub3A_490 = arith.constant 2 : i32
      %sub3A_491 = arith.subi %arg0, %sub3A_490 : i32
      %dma_wait3A_492 = tpu.memref_slice %arg5[%rem3A_0] : memref<2x!tpu.dma_semaphore, #tpu.memory_space<semaphore_mem>> -> memref<1x!tpu.dma_semaphore, #tpu.memory_space<semaphore_mem>>
      %dma_wait3A_493 = tpu.memref_squeeze %dma_wait3A_492 : memref<1x!tpu.dma_semaphore, #tpu.memory_space<semaphore_mem>> -> memref<!tpu.dma_semaphore, #tpu.memory_space<semaphore_mem>>
      %dma_wait3A_494 = arith.constant 1280 : i32
      %dma_wait3A_495 = arith.constant 0 : i32
      %dma_wait3A_496 = tpu.memref_slice %arg2[%sub3A_491, %dma_wait3A_494, %dma_wait3A_495] : memref<16x2048x2048xf32, #tpu.memory_space<any>> -> memref<1x128x2048xf32, #tpu.memory_space<any>>
      %dma_wait3A_497 = tpu.memref_squeeze %dma_wait3A_496 : memref<1x128x2048xf32, #tpu.memory_space<any>> -> memref<128x2048xf32, #tpu.memory_space<any>>
      %dma_wait3A_498 = arith.constant 0 : i32
      %dma_wait3A_499 = arith.constant 640 : i32
      %dma_wait3A_500 = tpu.memref_slice %arg4[%rem3A_0, %dma_wait3A_498, %dma_wait3A_499] : memref<2x128x4096xf32, #tpu.memory_space<vmem>> -> memref<1x128x2048xf32, #tpu.memory_space<vmem>>
      %dma_wait3A_501 = tpu.memref_squeeze %dma_wait3A_500 : memref<1x128x2048xf32, #tpu.memory_space<vmem>> -> memref<128x2048xf32, #tpu.memory_space<vmem>>
      tpu.wait_dma2 semaphore(%dma_wait3A_493 : memref<!tpu.dma_semaphore, #tpu.memory_space<semaphore_mem>>) src(%dma_wait3A_501 : memref<128x2048xf32, #tpu.memory_space<vmem>>) dst(%dma_wait3A_497 : memref<128x2048xf32, #tpu.memory_space<any>>)
      %sub3A_502 = arith.constant 2 : i32
      %sub3A_503 = arith.subi %arg0, %sub3A_502 : i32
      %dma_wait3A_504 = tpu.memref_slice %arg5[%rem3A_0] : memref<2x!tpu.dma_semaphore, #tpu.memory_space<semaphore_mem>> -> memref<1x!tpu.dma_semaphore, #tpu.memory_space<semaphore_mem>>
      %dma_wait3A_505 = tpu.memref_squeeze %dma_wait3A_504 : memref<1x!tpu.dma_semaphore, #tpu.memory_space<semaphore_mem>> -> memref<!tpu.dma_semaphore, #tpu.memory_space<semaphore_mem>>
      %dma_wait3A_506 = arith.constant 1408 : i32
      %dma_wait3A_507 = arith.constant 0 : i32
      %dma_wait3A_508 = tpu.memref_slice %arg2[%sub3A_503, %dma_wait3A_506, %dma_wait3A_507] : memref<16x2048x2048xf32, #tpu.memory_space<any>> -> memref<1x128x2048xf32, #tpu.memory_space<any>>
      %dma_wait3A_509 = tpu.memref_squeeze %dma_wait3A_508 : memref<1x128x2048xf32, #tpu.memory_space<any>> -> memref<128x2048xf32, #tpu.memory_space<any>>
      %dma_wait3A_510 = arith.constant 0 : i32
      %dma_wait3A_511 = arith.constant 512 : i32
      %dma_wait3A_512 = tpu.memref_slice %arg4[%rem3A_0, %dma_wait3A_510, %dma_wait3A_511] : memref<2x128x4096xf32, #tpu.memory_space<vmem>> -> memref<1x128x2048xf32, #tpu.memory_space<vmem>>
      %dma_wait3A_513 = tpu.memref_squeeze %dma_wait3A_512 : memref<1x128x2048xf32, #tpu.memory_space<vmem>> -> memref<128x2048xf32, #tpu.memory_space<vmem>>
      tpu.wait_dma2 semaphore(%dma_wait3A_505 : memref<!tpu.dma_semaphore, #tpu.memory_space<semaphore_mem>>) src(%dma_wait3A_513 : memref<128x2048xf32, #tpu.memory_space<vmem>>) dst(%dma_wait3A_509 : memref<128x2048xf32, #tpu.memory_space<any>>)
      %sub3A_514 = arith.constant 2 : i32
      %sub3A_515 = arith.subi %arg0, %sub3A_514 : i32
      %dma_wait3A_516 = tpu.memref_slice %arg5[%rem3A_0] : memref<2x!tpu.dma_semaphore, #tpu.memory_space<semaphore_mem>> -> memref<1x!tpu.dma_semaphore, #tpu.memory_space<semaphore_mem>>
      %dma_wait3A_517 = tpu.memref_squeeze %dma_wait3A_516 : memref<1x!tpu.dma_semaphore, #tpu.memory_space<semaphore_mem>> -> memref<!tpu.dma_semaphore, #tpu.memory_space<semaphore_mem>>
      %dma_wait3A_518 = arith.constant 1536 : i32
      %dma_wait3A_519 = arith.constant 0 : i32
      %dma_wait3A_520 = tpu.memref_slice %arg2[%sub3A_515, %dma_wait3A_518, %dma_wait3A_519] : memref<16x2048x2048xf32, #tpu.memory_space<any>> -> memref<1x128x2048xf32, #tpu.memory_space<any>>
      %dma_wait3A_521 = tpu.memref_squeeze %dma_wait3A_520 : memref<1x128x2048xf32, #tpu.memory_space<any>> -> memref<128x2048xf32, #tpu.memory_space<any>>
      %dma_wait3A_522 = arith.constant 0 : i32
      %dma_wait3A_523 = arith.constant 384 : i32
      %dma_wait3A_524 = tpu.memref_slice %arg4[%rem3A_0, %dma_wait3A_522, %dma_wait3A_523] : memref<2x128x4096xf32, #tpu.memory_space<vmem>> -> memref<1x128x2048xf32, #tpu.memory_space<vmem>>
      %dma_wait3A_525 = tpu.memref_squeeze %dma_wait3A_524 : memref<1x128x2048xf32, #tpu.memory_space<vmem>> -> memref<128x2048xf32, #tpu.memory_space<vmem>>
      tpu.wait_dma2 semaphore(%dma_wait3A_517 : memref<!tpu.dma_semaphore, #tpu.memory_space<semaphore_mem>>) src(%dma_wait3A_525 : memref<128x2048xf32, #tpu.memory_space<vmem>>) dst(%dma_wait3A_521 : memref<128x2048xf32, #tpu.memory_space<any>>)
      %sub3A_526 = arith.constant 2 : i32
      %sub3A_527 = arith.subi %arg0, %sub3A_526 : i32
      %dma_wait3A_528 = tpu.memref_slice %arg5[%rem3A_0] : memref<2x!tpu.dma_semaphore, #tpu.memory_space<semaphore_mem>> -> memref<1x!tpu.dma_semaphore, #tpu.memory_space<semaphore_mem>>
      %dma_wait3A_529 = tpu.memref_squeeze %dma_wait3A_528 : memref<1x!tpu.dma_semaphore, #tpu.memory_space<semaphore_mem>> -> memref<!tpu.dma_semaphore, #tpu.memory_space<semaphore_mem>>
      %dma_wait3A_530 = arith.constant 1664 : i32
      %dma_wait3A_531 = arith.constant 0 : i32
      %dma_wait3A_532 = tpu.memref_slice %arg2[%sub3A_527, %dma_wait3A_530, %dma_wait3A_531] : memref<16x2048x2048xf32, #tpu.memory_space<any>> -> memref<1x128x2048xf32, #tpu.memory_space<any>>
      %dma_wait3A_533 = tpu.memref_squeeze %dma_wait3A_532 : memref<1x128x2048xf32, #tpu.memory_space<any>> -> memref<128x2048xf32, #tpu.memory_space<any>>
      %dma_wait3A_534 = arith.constant 0 : i32
      %dma_wait3A_535 = arith.constant 256 : i32
      %dma_wait3A_536 = tpu.memref_slice %arg4[%rem3A_0, %dma_wait3A_534, %dma_wait3A_535] : memref<2x128x4096xf32, #tpu.memory_space<vmem>> -> memref<1x128x2048xf32, #tpu.memory_space<vmem>>
      %dma_wait3A_537 = tpu.memref_squeeze %dma_wait3A_536 : memref<1x128x2048xf32, #tpu.memory_space<vmem>> -> memref<128x2048xf32, #tpu.memory_space<vmem>>
      tpu.wait_dma2 semaphore(%dma_wait3A_529 : memref<!tpu.dma_semaphore, #tpu.memory_space<semaphore_mem>>) src(%dma_wait3A_537 : memref<128x2048xf32, #tpu.memory_space<vmem>>) dst(%dma_wait3A_533 : memref<128x2048xf32, #tpu.memory_space<any>>)
      %sub3A_538 = arith.constant 2 : i32
      %sub3A_539 = arith.subi %arg0, %sub3A_538 : i32
      %dma_wait3A_540 = tpu.memref_slice %arg5[%rem3A_0] : memref<2x!tpu.dma_semaphore, #tpu.memory_space<semaphore_mem>> -> memref<1x!tpu.dma_semaphore, #tpu.memory_space<semaphore_mem>>
      %dma_wait3A_541 = tpu.memref_squeeze %dma_wait3A_540 : memref<1x!tpu.dma_semaphore, #tpu.memory_space<semaphore_mem>> -> memref<!tpu.dma_semaphore, #tpu.memory_space<semaphore_mem>>
      %dma_wait3A_542 = arith.constant 1792 : i32
      %dma_wait3A_543 = arith.constant 0 : i32
      %dma_wait3A_544 = tpu.memref_slice %arg2[%sub3A_539, %dma_wait3A_542, %dma_wait3A_543] : memref<16x2048x2048xf32, #tpu.memory_space<any>> -> memref<1x128x2048xf32, #tpu.memory_space<any>>
      %dma_wait3A_545 = tpu.memref_squeeze %dma_wait3A_544 : memref<1x128x2048xf32, #tpu.memory_space<any>> -> memref<128x2048xf32, #tpu.memory_space<any>>
      %dma_wait3A_546 = arith.constant 0 : i32
      %dma_wait3A_547 = arith.constant 128 : i32
      %dma_wait3A_548 = tpu.memref_slice %arg4[%rem3A_0, %dma_wait3A_546, %dma_wait3A_547] : memref<2x128x4096xf32, #tpu.memory_space<vmem>> -> memref<1x128x2048xf32, #tpu.memory_space<vmem>>
      %dma_wait3A_549 = tpu.memref_squeeze %dma_wait3A_548 : memref<1x128x2048xf32, #tpu.memory_space<vmem>> -> memref<128x2048xf32, #tpu.memory_space<vmem>>
      tpu.wait_dma2 semaphore(%dma_wait3A_541 : memref<!tpu.dma_semaphore, #tpu.memory_space<semaphore_mem>>) src(%dma_wait3A_549 : memref<128x2048xf32, #tpu.memory_space<vmem>>) dst(%dma_wait3A_545 : memref<128x2048xf32, #tpu.memory_space<any>>)
      %sub3A_550 = arith.constant 2 : i32
      %sub3A_551 = arith.subi %arg0, %sub3A_550 : i32
      %dma_wait3A_552 = tpu.memref_slice %arg5[%rem3A_0] : memref<2x!tpu.dma_semaphore, #tpu.memory_space<semaphore_mem>> -> memref<1x!tpu.dma_semaphore, #tpu.memory_space<semaphore_mem>>
      %dma_wait3A_553 = tpu.memref_squeeze %dma_wait3A_552 : memref<1x!tpu.dma_semaphore, #tpu.memory_space<semaphore_mem>> -> memref<!tpu.dma_semaphore, #tpu.memory_space<semaphore_mem>>
      %dma_wait3A_554 = arith.constant 1920 : i32
      %dma_wait3A_555 = arith.constant 0 : i32
      %dma_wait3A_556 = tpu.memref_slice %arg2[%sub3A_551, %dma_wait3A_554, %dma_wait3A_555] : memref<16x2048x2048xf32, #tpu.memory_space<any>> -> memref<1x128x2048xf32, #tpu.memory_space<any>>
      %dma_wait3A_557 = tpu.memref_squeeze %dma_wait3A_556 : memref<1x128x2048xf32, #tpu.memory_space<any>> -> memref<128x2048xf32, #tpu.memory_space<any>>
      %dma_wait3A_558 = arith.constant 0 : i32
      %dma_wait3A_559 = arith.constant 0 : i32
      %dma_wait3A_560 = tpu.memref_slice %arg4[%rem3A_0, %dma_wait3A_558, %dma_wait3A_559] : memref<2x128x4096xf32, #tpu.memory_space<vmem>> -> memref<1x128x2048xf32, #tpu.memory_space<vmem>>
      %dma_wait3A_561 = tpu.memref_squeeze %dma_wait3A_560 : memref<1x128x2048xf32, #tpu.memory_space<vmem>> -> memref<128x2048xf32, #tpu.memory_space<vmem>>
      tpu.wait_dma2 semaphore(%dma_wait3A_553 : memref<!tpu.dma_semaphore, #tpu.memory_space<semaphore_mem>>) src(%dma_wait3A_561 : memref<128x2048xf32, #tpu.memory_space<vmem>>) dst(%dma_wait3A_557 : memref<128x2048xf32, #tpu.memory_space<any>>)
    } else {
    }
    %get3A = arith.constant 0 : index
    %get3A_3 = arith.constant 0 : index
    %get3A_4 = arith.constant 128 : index
    %get3A_5 = vector.load %arg1[%get3A, %get3A_3, %get3A_4] : memref<1x1x5120xf32, #tpu.memory_space<vmem>>, vector<1x1x4352xf32>
    %get3A_6 = vector.shape_cast %get3A_5 : vector<1x1x4352xf32> to vector<1x4352xf32>
    %swap3A = arith.constant 0 : index
    %swap3A_7 = arith.constant 0 : index
    %swap3A_8 = vector.load %arg3[%swap3A, %swap3A_7] : memref<8x4352xf32, #tpu.memory_space<vmem>>, vector<1x4352xf32>
    tpu.vector_store %arg3[%swap3A, %swap3A_7], %get3A_6 {strides = array<i32>} : memref<8x4352xf32, #tpu.memory_space<vmem>>, vector<1x4352xf32>,
    %get3A_9 = arith.constant 0 : index
    %get3A_10 = arith.constant 0 : index
    %get3A_11 = arith.constant 127 : index
    %get3A_12 = vector.load %arg1[%get3A_9, %get3A_10, %get3A_11] : memref<1x1x5120xf32, #tpu.memory_space<vmem>>, vector<1x1x4352xf32>
    %get3A_13 = vector.shape_cast %get3A_12 : vector<1x1x4352xf32> to vector<1x4352xf32>
    %swap3A_14 = arith.constant 1 : index
    %swap3A_15 = arith.constant 0 : index
    %swap3A_16 = vector.load %arg3[%swap3A_14, %swap3A_15] : memref<8x4352xf32, #tpu.memory_space<vmem>>, vector<1x4352xf32>
    tpu.vector_store %arg3[%swap3A_14, %swap3A_15], %get3A_13 {strides = array<i32>} : memref<8x4352xf32, #tpu.memory_space<vmem>>, vector<1x4352xf32>,
    %get3A_17 = arith.constant 0 : index
    %get3A_18 = arith.constant 0 : index
    %get3A_19 = arith.constant 126 : index
    %get3A_20 = vector.load %arg1[%get3A_17, %get3A_18, %get3A_19] : memref<1x1x5120xf32, #tpu.memory_space<vmem>>, vector<1x1x4352xf32>
    %get3A_21 = vector.shape_cast %get3A_20 : vector<1x1x4352xf32> to vector<1x4352xf32>
    %swap3A_22 = arith.constant 2 : index
    %swap3A_23 = arith.constant 0 : index
    %swap3A_24 = vector.load %arg3[%swap3A_22, %swap3A_23] : memref<8x4352xf32, #tpu.memory_space<vmem>>, vector<1x4352xf32>
    tpu.vector_store %arg3[%swap3A_22, %swap3A_23], %get3A_21 {strides = array<i32>} : memref<8x4352xf32, #tpu.memory_space<vmem>>, vector<1x4352xf32>,
    %get3A_25 = arith.constant 0 : index
    %get3A_26 = arith.constant 0 : index
    %get3A_27 = arith.constant 125 : index
    %get3A_28 = vector.load %arg1[%get3A_25, %get3A_26, %get3A_27] : memref<1x1x5120xf32, #tpu.memory_space<vmem>>, vector<1x1x4352xf32>
    %get3A_29 = vector.shape_cast %get3A_28 : vector<1x1x4352xf32> to vector<1x4352xf32>
    %swap3A_30 = arith.constant 3 : index
    %swap3A_31 = arith.constant 0 : index
    %swap3A_32 = vector.load %arg3[%swap3A_30, %swap3A_31] : memref<8x4352xf32, #tpu.memory_space<vmem>>, vector<1x4352xf32>
    tpu.vector_store %arg3[%swap3A_30, %swap3A_31], %get3A_29 {strides = array<i32>} : memref<8x4352xf32, #tpu.memory_space<vmem>>, vector<1x4352xf32>,
    %get3A_33 = arith.constant 0 : index
    %get3A_34 = arith.constant 0 : index
    %get3A_35 = arith.constant 124 : index
    %get3A_36 = vector.load %arg1[%get3A_33, %get3A_34, %get3A_35] : memref<1x1x5120xf32, #tpu.memory_space<vmem>>, vector<1x1x4352xf32>
    %get3A_37 = vector.shape_cast %get3A_36 : vector<1x1x4352xf32> to vector<1x4352xf32>
    %swap3A_38 = arith.constant 4 : index
    %swap3A_39 = arith.constant 0 : index
    %swap3A_40 = vector.load %arg3[%swap3A_38, %swap3A_39] : memref<8x4352xf32, #tpu.memory_space<vmem>>, vector<1x4352xf32>
    tpu.vector_store %arg3[%swap3A_38, %swap3A_39], %get3A_37 {strides = array<i32>} : memref<8x4352xf32, #tpu.memory_space<vmem>>, vector<1x4352xf32>,
    %get3A_41 = arith.constant 0 : index
    %get3A_42 = arith.constant 0 : index
    %get3A_43 = arith.constant 123 : index
    %get3A_44 = vector.load %arg1[%get3A_41, %get3A_42, %get3A_43] : memref<1x1x5120xf32, #tpu.memory_space<vmem>>, vector<1x1x4352xf32>
    %get3A_45 = vector.shape_cast %get3A_44 : vector<1x1x4352xf32> to vector<1x4352xf32>
    %swap3A_46 = arith.constant 5 : index
    %swap3A_47 = arith.constant 0 : index
    %swap3A_48 = vector.load %arg3[%swap3A_46, %swap3A_47] : memref<8x4352xf32, #tpu.memory_space<vmem>>, vector<1x4352xf32>
    tpu.vector_store %arg3[%swap3A_46, %swap3A_47], %get3A_45 {strides = array<i32>} : memref<8x4352xf32, #tpu.memory_space<vmem>>, vector<1x4352xf32>,
    %get3A_49 = arith.constant 0 : index
    %get3A_50 = arith.constant 0 : index
    %get3A_51 = arith.constant 122 : index
    %get3A_52 = vector.load %arg1[%get3A_49, %get3A_50, %get3A_51] : memref<1x1x5120xf32, #tpu.memory_space<vmem>>, vector<1x1x4352xf32>
    %get3A_53 = vector.shape_cast %get3A_52 : vector<1x1x4352xf32> to vector<1x4352xf32>
    %swap3A_54 = arith.constant 6 : index
    %swap3A_55 = arith.constant 0 : index
    %swap3A_56 = vector.load %arg3[%swap3A_54, %swap3A_55] : memref<8x4352xf32, #tpu.memory_space<vmem>>, vector<1x4352xf32>
    tpu.vector_store %arg3[%swap3A_54, %swap3A_55], %get3A_53 {strides = array<i32>} : memref<8x4352xf32, #tpu.memory_space<vmem>>, vector<1x4352xf32>,
    %get3A_57 = arith.constant 0 : index
    %get3A_58 = arith.constant 0 : index
    %get3A_59 = arith.constant 121 : index
    %get3A_60 = vector.load %arg1[%get3A_57, %get3A_58, %get3A_59] : memref<1x1x5120xf32, #tpu.memory_space<vmem>>, vector<1x1x4352xf32>
    %get3A_61 = vector.shape_cast %get3A_60 : vector<1x1x4352xf32> to vector<1x4352xf32>
    %swap3A_62 = arith.constant 7 : index
    %swap3A_63 = arith.constant 0 : index
    %swap3A_64 = vector.load %arg3[%swap3A_62, %swap3A_63] : memref<8x4352xf32, #tpu.memory_space<vmem>>, vector<1x4352xf32>
    tpu.vector_store %arg3[%swap3A_62, %swap3A_63], %get3A_61 {strides = array<i32>} : memref<8x4352xf32, #tpu.memory_space<vmem>>, vector<1x4352xf32>,
    %get3A_65 = arith.constant 0 : index
    %get3A_66 = arith.constant 255 : index
    %get3A_67 = vector.load %arg3[%get3A_65, %get3A_66] : memref<8x4352xf32, #tpu.memory_space<vmem>>, vector<8x4096xf32>
    %swap3A_68 = arith.index_cast %rem3A_0 : i32 to index
    %swap3A_69 = arith.constant 0 : index
    %swap3A_70 = arith.constant 0 : index
    %swap3A_71 = vector.load %arg4[%swap3A_68, %swap3A_69, %swap3A_70] : memref<2x128x4096xf32, #tpu.memory_space<vmem>>, vector<1x8x4096xf32>
    %swap3A_72 = vector.shape_cast %swap3A_71 : vector<1x8x4096xf32> to vector<8x4096xf32>
    %swap3A_73 = vector.shape_cast %get3A_67 : vector<8x4096xf32> to vector<1x8x4096xf32>
    tpu.vector_store %arg4[%swap3A_68, %swap3A_69, %swap3A_70], %swap3A_73 {strides = array<i32>} : memref<2x128x4096xf32, #tpu.memory_space<vmem>>, vector<1x8x4096xf32>,
    %get3A_74 = arith.constant 0 : index
    %get3A_75 = arith.constant 247 : index
    %get3A_76 = vector.load %arg3[%get3A_74, %get3A_75] : memref<8x4352xf32, #tpu.memory_space<vmem>>, vector<8x4096xf32>
    %swap3A_77 = arith.index_cast %rem3A_0 : i32 to index
    %swap3A_78 = arith.constant 8 : index
    %swap3A_79 = arith.constant 0 : index
    %swap3A_80 = vector.load %arg4[%swap3A_77, %swap3A_78, %swap3A_79] : memref<2x128x4096xf32, #tpu.memory_space<vmem>>, vector<1x8x4096xf32>
    %swap3A_81 = vector.shape_cast %swap3A_80 : vector<1x8x4096xf32> to vector<8x4096xf32>
    %swap3A_82 = vector.shape_cast %get3A_76 : vector<8x4096xf32> to vector<1x8x4096xf32>
    tpu.vector_store %arg4[%swap3A_77, %swap3A_78, %swap3A_79], %swap3A_82 {strides = array<i32>} : memref<2x128x4096xf32, #tpu.memory_space<vmem>>, vector<1x8x4096xf32>,
    %get3A_83 = arith.constant 0 : index
    %get3A_84 = arith.constant 239 : index
    %get3A_85 = vector.load %arg3[%get3A_83, %get3A_84] : memref<8x4352xf32, #tpu.memory_space<vmem>>, vector<8x4096xf32>
    %swap3A_86 = arith.index_cast %rem3A_0 : i32 to index
    %swap3A_87 = arith.constant 16 : index
    %swap3A_88 = arith.constant 0 : index
    %swap3A_89 = vector.load %arg4[%swap3A_86, %swap3A_87, %swap3A_88] : memref<2x128x4096xf32, #tpu.memory_space<vmem>>, vector<1x8x4096xf32>
    %swap3A_90 = vector.shape_cast %swap3A_89 : vector<1x8x4096xf32> to vector<8x4096xf32>
    %swap3A_91 = vector.shape_cast %get3A_85 : vector<8x4096xf32> to vector<1x8x4096xf32>
    tpu.vector_store %arg4[%swap3A_86, %swap3A_87, %swap3A_88], %swap3A_91 {strides = array<i32>} : memref<2x128x4096xf32, #tpu.memory_space<vmem>>, vector<1x8x4096xf32>,
    %get3A_92 = arith.constant 0 : index
    %get3A_93 = arith.constant 231 : index
    %get3A_94 = vector.load %arg3[%get3A_92, %get3A_93] : memref<8x4352xf32, #tpu.memory_space<vmem>>, vector<8x4096xf32>
    %swap3A_95 = arith.index_cast %rem3A_0 : i32 to index
    %swap3A_96 = arith.constant 24 : index
    %swap3A_97 = arith.constant 0 : index
    %swap3A_98 = vector.load %arg4[%swap3A_95, %swap3A_96, %swap3A_97] : memref<2x128x4096xf32, #tpu.memory_space<vmem>>, vector<1x8x4096xf32>
    %swap3A_99 = vector.shape_cast %swap3A_98 : vector<1x8x4096xf32> to vector<8x4096xf32>
    %swap3A_100 = vector.shape_cast %get3A_94 : vector<8x4096xf32> to vector<1x8x4096xf32>
    tpu.vector_store %arg4[%swap3A_95, %swap3A_96, %swap3A_97], %swap3A_100 {strides = array<i32>} : memref<2x128x4096xf32, #tpu.memory_space<vmem>>, vector<1x8x4096xf32>,
    %get3A_101 = arith.constant 0 : index
    %get3A_102 = arith.constant 223 : index
    %get3A_103 = vector.load %arg3[%get3A_101, %get3A_102] : memref<8x4352xf32, #tpu.memory_space<vmem>>, vector<8x4096xf32>
    %swap3A_104 = arith.index_cast %rem3A_0 : i32 to index
    %swap3A_105 = arith.constant 32 : index
    %swap3A_106 = arith.constant 0 : index
    %swap3A_107 = vector.load %arg4[%swap3A_104, %swap3A_105, %swap3A_106] : memref<2x128x4096xf32, #tpu.memory_space<vmem>>, vector<1x8x4096xf32>
    %swap3A_108 = vector.shape_cast %swap3A_107 : vector<1x8x4096xf32> to vector<8x4096xf32>
    %swap3A_109 = vector.shape_cast %get3A_103 : vector<8x4096xf32> to vector<1x8x4096xf32>
    tpu.vector_store %arg4[%swap3A_104, %swap3A_105, %swap3A_106], %swap3A_109 {strides = array<i32>} : memref<2x128x4096xf32, #tpu.memory_space<vmem>>, vector<1x8x4096xf32>,
    %get3A_110 = arith.constant 0 : index
    %get3A_111 = arith.constant 215 : index
    %get3A_112 = vector.load %arg3[%get3A_110, %get3A_111] : memref<8x4352xf32, #tpu.memory_space<vmem>>, vector<8x4096xf32>
    %swap3A_113 = arith.index_cast %rem3A_0 : i32 to index
    %swap3A_114 = arith.constant 40 : index
    %swap3A_115 = arith.constant 0 : index
    %swap3A_116 = vector.load %arg4[%swap3A_113, %swap3A_114, %swap3A_115] : memref<2x128x4096xf32, #tpu.memory_space<vmem>>, vector<1x8x4096xf32>
    %swap3A_117 = vector.shape_cast %swap3A_116 : vector<1x8x4096xf32> to vector<8x4096xf32>
    %swap3A_118 = vector.shape_cast %get3A_112 : vector<8x4096xf32> to vector<1x8x4096xf32>
    tpu.vector_store %arg4[%swap3A_113, %swap3A_114, %swap3A_115], %swap3A_118 {strides = array<i32>} : memref<2x128x4096xf32, #tpu.memory_space<vmem>>, vector<1x8x4096xf32>,
    %get3A_119 = arith.constant 0 : index
    %get3A_120 = arith.constant 207 : index
    %get3A_121 = vector.load %arg3[%get3A_119, %get3A_120] : memref<8x4352xf32, #tpu.memory_space<vmem>>, vector<8x4096xf32>
    %swap3A_122 = arith.index_cast %rem3A_0 : i32 to index
    %swap3A_123 = arith.constant 48 : index
    %swap3A_124 = arith.constant 0 : index
    %swap3A_125 = vector.load %arg4[%swap3A_122, %swap3A_123, %swap3A_124] : memref<2x128x4096xf32, #tpu.memory_space<vmem>>, vector<1x8x4096xf32>
    %swap3A_126 = vector.shape_cast %swap3A_125 : vector<1x8x4096xf32> to vector<8x4096xf32>
    %swap3A_127 = vector.shape_cast %get3A_121 : vector<8x4096xf32> to vector<1x8x4096xf32>
    tpu.vector_store %arg4[%swap3A_122, %swap3A_123, %swap3A_124], %swap3A_127 {strides = array<i32>} : memref<2x128x4096xf32, #tpu.memory_space<vmem>>, vector<1x8x4096xf32>,
    %get3A_128 = arith.constant 0 : index
    %get3A_129 = arith.constant 199 : index
    %get3A_130 = vector.load %arg3[%get3A_128, %get3A_129] : memref<8x4352xf32, #tpu.memory_space<vmem>>, vector<8x4096xf32>
    %swap3A_131 = arith.index_cast %rem3A_0 : i32 to index
    %swap3A_132 = arith.constant 56 : index
    %swap3A_133 = arith.constant 0 : index
    %swap3A_134 = vector.load %arg4[%swap3A_131, %swap3A_132, %swap3A_133] : memref<2x128x4096xf32, #tpu.memory_space<vmem>>, vector<1x8x4096xf32>
    %swap3A_135 = vector.shape_cast %swap3A_134 : vector<1x8x4096xf32> to vector<8x4096xf32>
    %swap3A_136 = vector.shape_cast %get3A_130 : vector<8x4096xf32> to vector<1x8x4096xf32>
    tpu.vector_store %arg4[%swap3A_131, %swap3A_132, %swap3A_133], %swap3A_136 {strides = array<i32>} : memref<2x128x4096xf32, #tpu.memory_space<vmem>>, vector<1x8x4096xf32>,
    %get3A_137 = arith.constant 0 : index
    %get3A_138 = arith.constant 191 : index
    %get3A_139 = vector.load %arg3[%get3A_137, %get3A_138] : memref<8x4352xf32, #tpu.memory_space<vmem>>, vector<8x4096xf32>
    %swap3A_140 = arith.index_cast %rem3A_0 : i32 to index
    %swap3A_141 = arith.constant 64 : index
    %swap3A_142 = arith.constant 0 : index
    %swap3A_143 = vector.load %arg4[%swap3A_140, %swap3A_141, %swap3A_142] : memref<2x128x4096xf32, #tpu.memory_space<vmem>>, vector<1x8x4096xf32>
    %swap3A_144 = vector.shape_cast %swap3A_143 : vector<1x8x4096xf32> to vector<8x4096xf32>
    %swap3A_145 = vector.shape_cast %get3A_139 : vector<8x4096xf32> to vector<1x8x4096xf32>
    tpu.vector_store %arg4[%swap3A_140, %swap3A_141, %swap3A_142], %swap3A_145 {strides = array<i32>} : memref<2x128x4096xf32, #tpu.memory_space<vmem>>, vector<1x8x4096xf32>,
    %get3A_146 = arith.constant 0 : index
    %get3A_147 = arith.constant 183 : index
    %get3A_148 = vector.load %arg3[%get3A_146, %get3A_147] : memref<8x4352xf32, #tpu.memory_space<vmem>>, vector<8x4096xf32>
    %swap3A_149 = arith.index_cast %rem3A_0 : i32 to index
    %swap3A_150 = arith.constant 72 : index
    %swap3A_151 = arith.constant 0 : index
    %swap3A_152 = vector.load %arg4[%swap3A_149, %swap3A_150, %swap3A_151] : memref<2x128x4096xf32, #tpu.memory_space<vmem>>, vector<1x8x4096xf32>
    %swap3A_153 = vector.shape_cast %swap3A_152 : vector<1x8x4096xf32> to vector<8x4096xf32>
    %swap3A_154 = vector.shape_cast %get3A_148 : vector<8x4096xf32> to vector<1x8x4096xf32>
    tpu.vector_store %arg4[%swap3A_149, %swap3A_150, %swap3A_151], %swap3A_154 {strides = array<i32>} : memref<2x128x4096xf32, #tpu.memory_space<vmem>>, vector<1x8x4096xf32>,
    %get3A_155 = arith.constant 0 : index
    %get3A_156 = arith.constant 175 : index
    %get3A_157 = vector.load %arg3[%get3A_155, %get3A_156] : memref<8x4352xf32, #tpu.memory_space<vmem>>, vector<8x4096xf32>
    %swap3A_158 = arith.index_cast %rem3A_0 : i32 to index
    %swap3A_159 = arith.constant 80 : index
    %swap3A_160 = arith.constant 0 : index
    %swap3A_161 = vector.load %arg4[%swap3A_158, %swap3A_159, %swap3A_160] : memref<2x128x4096xf32, #tpu.memory_space<vmem>>, vector<1x8x4096xf32>
    %swap3A_162 = vector.shape_cast %swap3A_161 : vector<1x8x4096xf32> to vector<8x4096xf32>
    %swap3A_163 = vector.shape_cast %get3A_157 : vector<8x4096xf32> to vector<1x8x4096xf32>
    tpu.vector_store %arg4[%swap3A_158, %swap3A_159, %swap3A_160], %swap3A_163 {strides = array<i32>} : memref<2x128x4096xf32, #tpu.memory_space<vmem>>, vector<1x8x4096xf32>,
    %get3A_164 = arith.constant 0 : index
    %get3A_165 = arith.constant 167 : index
    %get3A_166 = vector.load %arg3[%get3A_164, %get3A_165] : memref<8x4352xf32, #tpu.memory_space<vmem>>, vector<8x4096xf32>
    %swap3A_167 = arith.index_cast %rem3A_0 : i32 to index
    %swap3A_168 = arith.constant 88 : index
    %swap3A_169 = arith.constant 0 : index
    %swap3A_170 = vector.load %arg4[%swap3A_167, %swap3A_168, %swap3A_169] : memref<2x128x4096xf32, #tpu.memory_space<vmem>>, vector<1x8x4096xf32>
    %swap3A_171 = vector.shape_cast %swap3A_170 : vector<1x8x4096xf32> to vector<8x4096xf32>
    %swap3A_172 = vector.shape_cast %get3A_166 : vector<8x4096xf32> to vector<1x8x4096xf32>
    tpu.vector_store %arg4[%swap3A_167, %swap3A_168, %swap3A_169], %swap3A_172 {strides = array<i32>} : memref<2x128x4096xf32, #tpu.memory_space<vmem>>, vector<1x8x4096xf32>,
    %get3A_173 = arith.constant 0 : index
    %get3A_174 = arith.constant 159 : index
    %get3A_175 = vector.load %arg3[%get3A_173, %get3A_174] : memref<8x4352xf32, #tpu.memory_space<vmem>>, vector<8x4096xf32>
    %swap3A_176 = arith.index_cast %rem3A_0 : i32 to index
    %swap3A_177 = arith.constant 96 : index
    %swap3A_178 = arith.constant 0 : index
    %swap3A_179 = vector.load %arg4[%swap3A_176, %swap3A_177, %swap3A_178] : memref<2x128x4096xf32, #tpu.memory_space<vmem>>, vector<1x8x4096xf32>
    %swap3A_180 = vector.shape_cast %swap3A_179 : vector<1x8x4096xf32> to vector<8x4096xf32>
    %swap3A_181 = vector.shape_cast %get3A_175 : vector<8x4096xf32> to vector<1x8x4096xf32>
    tpu.vector_store %arg4[%swap3A_176, %swap3A_177, %swap3A_178], %swap3A_181 {strides = array<i32>} : memref<2x128x4096xf32, #tpu.memory_space<vmem>>, vector<1x8x4096xf32>,
    %get3A_182 = arith.constant 0 : index
    %get3A_183 = arith.constant 151 : index
    %get3A_184 = vector.load %arg3[%get3A_182, %get3A_183] : memref<8x4352xf32, #tpu.memory_space<vmem>>, vector<8x4096xf32>
    %swap3A_185 = arith.index_cast %rem3A_0 : i32 to index
    %swap3A_186 = arith.constant 104 : index
    %swap3A_187 = arith.constant 0 : index
    %swap3A_188 = vector.load %arg4[%swap3A_185, %swap3A_186, %swap3A_187] : memref<2x128x4096xf32, #tpu.memory_space<vmem>>, vector<1x8x4096xf32>
    %swap3A_189 = vector.shape_cast %swap3A_188 : vector<1x8x4096xf32> to vector<8x4096xf32>
    %swap3A_190 = vector.shape_cast %get3A_184 : vector<8x4096xf32> to vector<1x8x4096xf32>
    tpu.vector_store %arg4[%swap3A_185, %swap3A_186, %swap3A_187], %swap3A_190 {strides = array<i32>} : memref<2x128x4096xf32, #tpu.memory_space<vmem>>, vector<1x8x4096xf32>,
    %get3A_191 = arith.constant 0 : index
    %get3A_192 = arith.constant 143 : index
    %get3A_193 = vector.load %arg3[%get3A_191, %get3A_192] : memref<8x4352xf32, #tpu.memory_space<vmem>>, vector<8x4096xf32>
    %swap3A_194 = arith.index_cast %rem3A_0 : i32 to index
    %swap3A_195 = arith.constant 112 : index
    %swap3A_196 = arith.constant 0 : index
    %swap3A_197 = vector.load %arg4[%swap3A_194, %swap3A_195, %swap3A_196] : memref<2x128x4096xf32, #tpu.memory_space<vmem>>, vector<1x8x4096xf32>
    %swap3A_198 = vector.shape_cast %swap3A_197 : vector<1x8x4096xf32> to vector<8x4096xf32>
    %swap3A_199 = vector.shape_cast %get3A_193 : vector<8x4096xf32> to vector<1x8x4096xf32>
    tpu.vector_store %arg4[%swap3A_194, %swap3A_195, %swap3A_196], %swap3A_199 {strides = array<i32>} : memref<2x128x4096xf32, #tpu.memory_space<vmem>>, vector<1x8x4096xf32>,
    %get3A_200 = arith.constant 0 : index
    %get3A_201 = arith.constant 135 : index
    %get3A_202 = vector.load %arg3[%get3A_200, %get3A_201] : memref<8x4352xf32, #tpu.memory_space<vmem>>, vector<8x4096xf32>
    %swap3A_203 = arith.index_cast %rem3A_0 : i32 to index
    %swap3A_204 = arith.constant 120 : index
    %swap3A_205 = arith.constant 0 : index
    %swap3A_206 = vector.load %arg4[%swap3A_203, %swap3A_204, %swap3A_205] : memref<2x128x4096xf32, #tpu.memory_space<vmem>>, vector<1x8x4096xf32>
    %swap3A_207 = vector.shape_cast %swap3A_206 : vector<1x8x4096xf32> to vector<8x4096xf32>
    %swap3A_208 = vector.shape_cast %get3A_202 : vector<8x4096xf32> to vector<1x8x4096xf32>
    tpu.vector_store %arg4[%swap3A_203, %swap3A_204, %swap3A_205], %swap3A_208 {strides = array<i32>} : memref<2x128x4096xf32, #tpu.memory_space<vmem>>, vector<1x8x4096xf32>,
    %dma_start3A = tpu.memref_slice %arg5[%rem3A_0] : memref<2x!tpu.dma_semaphore, #tpu.memory_space<semaphore_mem>> -> memref<1x!tpu.dma_semaphore, #tpu.memory_space<semaphore_mem>>
    %dma_start3A_209 = tpu.memref_squeeze %dma_start3A : memref<1x!tpu.dma_semaphore, #tpu.memory_space<semaphore_mem>> -> memref<!tpu.dma_semaphore, #tpu.memory_space<semaphore_mem>>
    %dma_start3A_210 = arith.constant 0 : i32
    %dma_start3A_211 = arith.constant 0 : i32
    %dma_start3A_212 = tpu.memref_slice %arg2[%arg0, %dma_start3A_210, %dma_start3A_211] : memref<16x2048x2048xf32, #tpu.memory_space<any>> -> memref<1x128x2048xf32, #tpu.memory_space<any>>
    %dma_start3A_213 = tpu.memref_squeeze %dma_start3A_212 : memref<1x128x2048xf32, #tpu.memory_space<any>> -> memref<128x2048xf32, #tpu.memory_space<any>>
    %dma_start3A_214 = arith.constant 0 : i32
    %dma_start3A_215 = arith.constant 1920 : i32
    %dma_start3A_216 = tpu.memref_slice %arg4[%rem3A_0, %dma_start3A_214, %dma_start3A_215] : memref<2x128x4096xf32, #tpu.memory_space<vmem>> -> memref<1x128x2048xf32, #tpu.memory_space<vmem>>
    %dma_start3A_217 = tpu.memref_squeeze %dma_start3A_216 : memref<1x128x2048xf32, #tpu.memory_space<vmem>> -> memref<128x2048xf32, #tpu.memory_space<vmem>>
    tpu.enqueue_dma source(%dma_start3A_217 : memref<128x2048xf32, #tpu.memory_space<vmem>>) target(%dma_start3A_213 : memref<128x2048xf32, #tpu.memory_space<any>>) target_semaphore(%dma_start3A_209 : memref<!tpu.dma_semaphore, #tpu.memory_space<semaphore_mem>>)
    %dma_start3A_218 = tpu.memref_slice %arg5[%rem3A_0] : memref<2x!tpu.dma_semaphore, #tpu.memory_space<semaphore_mem>> -> memref<1x!tpu.dma_semaphore, #tpu.memory_space<semaphore_mem>>
    %dma_start3A_219 = tpu.memref_squeeze %dma_start3A_218 : memref<1x!tpu.dma_semaphore, #tpu.memory_space<semaphore_mem>> -> memref<!tpu.dma_semaphore, #tpu.memory_space<semaphore_mem>>
    %dma_start3A_220 = arith.constant 128 : i32
    %dma_start3A_221 = arith.constant 0 : i32
    %dma_start3A_222 = tpu.memref_slice %arg2[%arg0, %dma_start3A_220, %dma_start3A_221] : memref<16x2048x2048xf32, #tpu.memory_space<any>> -> memref<1x128x2048xf32, #tpu.memory_space<any>>
    %dma_start3A_223 = tpu.memref_squeeze %dma_start3A_222 : memref<1x128x2048xf32, #tpu.memory_space<any>> -> memref<128x2048xf32, #tpu.memory_space<any>>
    %dma_start3A_224 = arith.constant 0 : i32
    %dma_start3A_225 = arith.constant 1792 : i32
    %dma_start3A_226 = tpu.memref_slice %arg4[%rem3A_0, %dma_start3A_224, %dma_start3A_225] : memref<2x128x4096xf32, #tpu.memory_space<vmem>> -> memref<1x128x2048xf32, #tpu.memory_space<vmem>>
    %dma_start3A_227 = tpu.memref_squeeze %dma_start3A_226 : memref<1x128x2048xf32, #tpu.memory_space<vmem>> -> memref<128x2048xf32, #tpu.memory_space<vmem>>
    tpu.enqueue_dma source(%dma_start3A_227 : memref<128x2048xf32, #tpu.memory_space<vmem>>) target(%dma_start3A_223 : memref<128x2048xf32, #tpu.memory_space<any>>) target_semaphore(%dma_start3A_219 : memref<!tpu.dma_semaphore, #tpu.memory_space<semaphore_mem>>)
    %dma_start3A_228 = tpu.memref_slice %arg5[%rem3A_0] : memref<2x!tpu.dma_semaphore, #tpu.memory_space<semaphore_mem>> -> memref<1x!tpu.dma_semaphore, #tpu.memory_space<semaphore_mem>>
    %dma_start3A_229 = tpu.memref_squeeze %dma_start3A_228 : memref<1x!tpu.dma_semaphore, #tpu.memory_space<semaphore_mem>> -> memref<!tpu.dma_semaphore, #tpu.memory_space<semaphore_mem>>
    %dma_start3A_230 = arith.constant 256 : i32
    %dma_start3A_231 = arith.constant 0 : i32
    %dma_start3A_232 = tpu.memref_slice %arg2[%arg0, %dma_start3A_230, %dma_start3A_231] : memref<16x2048x2048xf32, #tpu.memory_space<any>> -> memref<1x128x2048xf32, #tpu.memory_space<any>>
    %dma_start3A_233 = tpu.memref_squeeze %dma_start3A_232 : memref<1x128x2048xf32, #tpu.memory_space<any>> -> memref<128x2048xf32, #tpu.memory_space<any>>
    %dma_start3A_234 = arith.constant 0 : i32
    %dma_start3A_235 = arith.constant 1664 : i32
    %dma_start3A_236 = tpu.memref_slice %arg4[%rem3A_0, %dma_start3A_234, %dma_start3A_235] : memref<2x128x4096xf32, #tpu.memory_space<vmem>> -> memref<1x128x2048xf32, #tpu.memory_space<vmem>>
    %dma_start3A_237 = tpu.memref_squeeze %dma_start3A_236 : memref<1x128x2048xf32, #tpu.memory_space<vmem>> -> memref<128x2048xf32, #tpu.memory_space<vmem>>
    tpu.enqueue_dma source(%dma_start3A_237 : memref<128x2048xf32, #tpu.memory_space<vmem>>) target(%dma_start3A_233 : memref<128x2048xf32, #tpu.memory_space<any>>) target_semaphore(%dma_start3A_229 : memref<!tpu.dma_semaphore, #tpu.memory_space<semaphore_mem>>)
    %dma_start3A_238 = tpu.memref_slice %arg5[%rem3A_0] : memref<2x!tpu.dma_semaphore, #tpu.memory_space<semaphore_mem>> -> memref<1x!tpu.dma_semaphore, #tpu.memory_space<semaphore_mem>>
    %dma_start3A_239 = tpu.memref_squeeze %dma_start3A_238 : memref<1x!tpu.dma_semaphore, #tpu.memory_space<semaphore_mem>> -> memref<!tpu.dma_semaphore, #tpu.memory_space<semaphore_mem>>
    %dma_start3A_240 = arith.constant 384 : i32
    %dma_start3A_241 = arith.constant 0 : i32
    %dma_start3A_242 = tpu.memref_slice %arg2[%arg0, %dma_start3A_240, %dma_start3A_241] : memref<16x2048x2048xf32, #tpu.memory_space<any>> -> memref<1x128x2048xf32, #tpu.memory_space<any>>
    %dma_start3A_243 = tpu.memref_squeeze %dma_start3A_242 : memref<1x128x2048xf32, #tpu.memory_space<any>> -> memref<128x2048xf32, #tpu.memory_space<any>>
    %dma_start3A_244 = arith.constant 0 : i32
    %dma_start3A_245 = arith.constant 1536 : i32
    %dma_start3A_246 = tpu.memref_slice %arg4[%rem3A_0, %dma_start3A_244, %dma_start3A_245] : memref<2x128x4096xf32, #tpu.memory_space<vmem>> -> memref<1x128x2048xf32, #tpu.memory_space<vmem>>
    %dma_start3A_247 = tpu.memref_squeeze %dma_start3A_246 : memref<1x128x2048xf32, #tpu.memory_space<vmem>> -> memref<128x2048xf32, #tpu.memory_space<vmem>>
    tpu.enqueue_dma source(%dma_start3A_247 : memref<128x2048xf32, #tpu.memory_space<vmem>>) target(%dma_start3A_243 : memref<128x2048xf32, #tpu.memory_space<any>>) target_semaphore(%dma_start3A_239 : memref<!tpu.dma_semaphore, #tpu.memory_space<semaphore_mem>>)
    %dma_start3A_248 = tpu.memref_slice %arg5[%rem3A_0] : memref<2x!tpu.dma_semaphore, #tpu.memory_space<semaphore_mem>> -> memref<1x!tpu.dma_semaphore, #tpu.memory_space<semaphore_mem>>
    %dma_start3A_249 = tpu.memref_squeeze %dma_start3A_248 : memref<1x!tpu.dma_semaphore, #tpu.memory_space<semaphore_mem>> -> memref<!tpu.dma_semaphore, #tpu.memory_space<semaphore_mem>>
    %dma_start3A_250 = arith.constant 512 : i32
    %dma_start3A_251 = arith.constant 0 : i32
    %dma_start3A_252 = tpu.memref_slice %arg2[%arg0, %dma_start3A_250, %dma_start3A_251] : memref<16x2048x2048xf32, #tpu.memory_space<any>> -> memref<1x128x2048xf32, #tpu.memory_space<any>>
    %dma_start3A_253 = tpu.memref_squeeze %dma_start3A_252 : memref<1x128x2048xf32, #tpu.memory_space<any>> -> memref<128x2048xf32, #tpu.memory_space<any>>
    %dma_start3A_254 = arith.constant 0 : i32
    %dma_start3A_255 = arith.constant 1408 : i32
    %dma_start3A_256 = tpu.memref_slice %arg4[%rem3A_0, %dma_start3A_254, %dma_start3A_255] : memref<2x128x4096xf32, #tpu.memory_space<vmem>> -> memref<1x128x2048xf32, #tpu.memory_space<vmem>>
    %dma_start3A_257 = tpu.memref_squeeze %dma_start3A_256 : memref<1x128x2048xf32, #tpu.memory_space<vmem>> -> memref<128x2048xf32, #tpu.memory_space<vmem>>
    tpu.enqueue_dma source(%dma_start3A_257 : memref<128x2048xf32, #tpu.memory_space<vmem>>) target(%dma_start3A_253 : memref<128x2048xf32, #tpu.memory_space<any>>) target_semaphore(%dma_start3A_249 : memref<!tpu.dma_semaphore, #tpu.memory_space<semaphore_mem>>)
    %dma_start3A_258 = tpu.memref_slice %arg5[%rem3A_0] : memref<2x!tpu.dma_semaphore, #tpu.memory_space<semaphore_mem>> -> memref<1x!tpu.dma_semaphore, #tpu.memory_space<semaphore_mem>>
    %dma_start3A_259 = tpu.memref_squeeze %dma_start3A_258 : memref<1x!tpu.dma_semaphore, #tpu.memory_space<semaphore_mem>> -> memref<!tpu.dma_semaphore, #tpu.memory_space<semaphore_mem>>
    %dma_start3A_260 = arith.constant 640 : i32
    %dma_start3A_261 = arith.constant 0 : i32
    %dma_start3A_262 = tpu.memref_slice %arg2[%arg0, %dma_start3A_260, %dma_start3A_261] : memref<16x2048x2048xf32, #tpu.memory_space<any>> -> memref<1x128x2048xf32, #tpu.memory_space<any>>
    %dma_start3A_263 = tpu.memref_squeeze %dma_start3A_262 : memref<1x128x2048xf32, #tpu.memory_space<any>> -> memref<128x2048xf32, #tpu.memory_space<any>>
    %dma_start3A_264 = arith.constant 0 : i32
    %dma_start3A_265 = arith.constant 1280 : i32
    %dma_start3A_266 = tpu.memref_slice %arg4[%rem3A_0, %dma_start3A_264, %dma_start3A_265] : memref<2x128x4096xf32, #tpu.memory_space<vmem>> -> memref<1x128x2048xf32, #tpu.memory_space<vmem>>
    %dma_start3A_267 = tpu.memref_squeeze %dma_start3A_266 : memref<1x128x2048xf32, #tpu.memory_space<vmem>> -> memref<128x2048xf32, #tpu.memory_space<vmem>>
    tpu.enqueue_dma source(%dma_start3A_267 : memref<128x2048xf32, #tpu.memory_space<vmem>>) target(%dma_start3A_263 : memref<128x2048xf32, #tpu.memory_space<any>>) target_semaphore(%dma_start3A_259 : memref<!tpu.dma_semaphore, #tpu.memory_space<semaphore_mem>>)
    %dma_start3A_268 = tpu.memref_slice %arg5[%rem3A_0] : memref<2x!tpu.dma_semaphore, #tpu.memory_space<semaphore_mem>> -> memref<1x!tpu.dma_semaphore, #tpu.memory_space<semaphore_mem>>
    %dma_start3A_269 = tpu.memref_squeeze %dma_start3A_268 : memref<1x!tpu.dma_semaphore, #tpu.memory_space<semaphore_mem>> -> memref<!tpu.dma_semaphore, #tpu.memory_space<semaphore_mem>>
    %dma_start3A_270 = arith.constant 768 : i32
    %dma_start3A_271 = arith.constant 0 : i32
    %dma_start3A_272 = tpu.memref_slice %arg2[%arg0, %dma_start3A_270, %dma_start3A_271] : memref<16x2048x2048xf32, #tpu.memory_space<any>> -> memref<1x128x2048xf32, #tpu.memory_space<any>>
    %dma_start3A_273 = tpu.memref_squeeze %dma_start3A_272 : memref<1x128x2048xf32, #tpu.memory_space<any>> -> memref<128x2048xf32, #tpu.memory_space<any>>
    %dma_start3A_274 = arith.constant 0 : i32
    %dma_start3A_275 = arith.constant 1152 : i32
    %dma_start3A_276 = tpu.memref_slice %arg4[%rem3A_0, %dma_start3A_274, %dma_start3A_275] : memref<2x128x4096xf32, #tpu.memory_space<vmem>> -> memref<1x128x2048xf32, #tpu.memory_space<vmem>>
    %dma_start3A_277 = tpu.memref_squeeze %dma_start3A_276 : memref<1x128x2048xf32, #tpu.memory_space<vmem>> -> memref<128x2048xf32, #tpu.memory_space<vmem>>
    tpu.enqueue_dma source(%dma_start3A_277 : memref<128x2048xf32, #tpu.memory_space<vmem>>) target(%dma_start3A_273 : memref<128x2048xf32, #tpu.memory_space<any>>) target_semaphore(%dma_start3A_269 : memref<!tpu.dma_semaphore, #tpu.memory_space<semaphore_mem>>)
    %dma_start3A_278 = tpu.memref_slice %arg5[%rem3A_0] : memref<2x!tpu.dma_semaphore, #tpu.memory_space<semaphore_mem>> -> memref<1x!tpu.dma_semaphore, #tpu.memory_space<semaphore_mem>>
    %dma_start3A_279 = tpu.memref_squeeze %dma_start3A_278 : memref<1x!tpu.dma_semaphore, #tpu.memory_space<semaphore_mem>> -> memref<!tpu.dma_semaphore, #tpu.memory_space<semaphore_mem>>
    %dma_start3A_280 = arith.constant 896 : i32
    %dma_start3A_281 = arith.constant 0 : i32
    %dma_start3A_282 = tpu.memref_slice %arg2[%arg0, %dma_start3A_280, %dma_start3A_281] : memref<16x2048x2048xf32, #tpu.memory_space<any>> -> memref<1x128x2048xf32, #tpu.memory_space<any>>
    %dma_start3A_283 = tpu.memref_squeeze %dma_start3A_282 : memref<1x128x2048xf32, #tpu.memory_space<any>> -> memref<128x2048xf32, #tpu.memory_space<any>>
    %dma_start3A_284 = arith.constant 0 : i32
    %dma_start3A_285 = arith.constant 1024 : i32
    %dma_start3A_286 = tpu.memref_slice %arg4[%rem3A_0, %dma_start3A_284, %dma_start3A_285] : memref<2x128x4096xf32, #tpu.memory_space<vmem>> -> memref<1x128x2048xf32, #tpu.memory_space<vmem>>
    %dma_start3A_287 = tpu.memref_squeeze %dma_start3A_286 : memref<1x128x2048xf32, #tpu.memory_space<vmem>> -> memref<128x2048xf32, #tpu.memory_space<vmem>>
    tpu.enqueue_dma source(%dma_start3A_287 : memref<128x2048xf32, #tpu.memory_space<vmem>>) target(%dma_start3A_283 : memref<128x2048xf32, #tpu.memory_space<any>>) target_semaphore(%dma_start3A_279 : memref<!tpu.dma_semaphore, #tpu.memory_space<semaphore_mem>>)
    %dma_start3A_288 = tpu.memref_slice %arg5[%rem3A_0] : memref<2x!tpu.dma_semaphore, #tpu.memory_space<semaphore_mem>> -> memref<1x!tpu.dma_semaphore, #tpu.memory_space<semaphore_mem>>
    %dma_start3A_289 = tpu.memref_squeeze %dma_start3A_288 : memref<1x!tpu.dma_semaphore, #tpu.memory_space<semaphore_mem>> -> memref<!tpu.dma_semaphore, #tpu.memory_space<semaphore_mem>>
    %dma_start3A_290 = arith.constant 1024 : i32
    %dma_start3A_291 = arith.constant 0 : i32
    %dma_start3A_292 = tpu.memref_slice %arg2[%arg0, %dma_start3A_290, %dma_start3A_291] : memref<16x2048x2048xf32, #tpu.memory_space<any>> -> memref<1x128x2048xf32, #tpu.memory_space<any>>
    %dma_start3A_293 = tpu.memref_squeeze %dma_start3A_292 : memref<1x128x2048xf32, #tpu.memory_space<any>> -> memref<128x2048xf32, #tpu.memory_space<any>>
    %dma_start3A_294 = arith.constant 0 : i32
    %dma_start3A_295 = arith.constant 896 : i32
    %dma_start3A_296 = tpu.memref_slice %arg4[%rem3A_0, %dma_start3A_294, %dma_start3A_295] : memref<2x128x4096xf32, #tpu.memory_space<vmem>> -> memref<1x128x2048xf32, #tpu.memory_space<vmem>>
    %dma_start3A_297 = tpu.memref_squeeze %dma_start3A_296 : memref<1x128x2048xf32, #tpu.memory_space<vmem>> -> memref<128x2048xf32, #tpu.memory_space<vmem>>
    tpu.enqueue_dma source(%dma_start3A_297 : memref<128x2048xf32, #tpu.memory_space<vmem>>) target(%dma_start3A_293 : memref<128x2048xf32, #tpu.memory_space<any>>) target_semaphore(%dma_start3A_289 : memref<!tpu.dma_semaphore, #tpu.memory_space<semaphore_mem>>)
    %dma_start3A_298 = tpu.memref_slice %arg5[%rem3A_0] : memref<2x!tpu.dma_semaphore, #tpu.memory_space<semaphore_mem>> -> memref<1x!tpu.dma_semaphore, #tpu.memory_space<semaphore_mem>>
    %dma_start3A_299 = tpu.memref_squeeze %dma_start3A_298 : memref<1x!tpu.dma_semaphore, #tpu.memory_space<semaphore_mem>> -> memref<!tpu.dma_semaphore, #tpu.memory_space<semaphore_mem>>
    %dma_start3A_300 = arith.constant 1152 : i32
    %dma_start3A_301 = arith.constant 0 : i32
    %dma_start3A_302 = tpu.memref_slice %arg2[%arg0, %dma_start3A_300, %dma_start3A_301] : memref<16x2048x2048xf32, #tpu.memory_space<any>> -> memref<1x128x2048xf32, #tpu.memory_space<any>>
    %dma_start3A_303 = tpu.memref_squeeze %dma_start3A_302 : memref<1x128x2048xf32, #tpu.memory_space<any>> -> memref<128x2048xf32, #tpu.memory_space<any>>
    %dma_start3A_304 = arith.constant 0 : i32
    %dma_start3A_305 = arith.constant 768 : i32
    %dma_start3A_306 = tpu.memref_slice %arg4[%rem3A_0, %dma_start3A_304, %dma_start3A_305] : memref<2x128x4096xf32, #tpu.memory_space<vmem>> -> memref<1x128x2048xf32, #tpu.memory_space<vmem>>
    %dma_start3A_307 = tpu.memref_squeeze %dma_start3A_306 : memref<1x128x2048xf32, #tpu.memory_space<vmem>> -> memref<128x2048xf32, #tpu.memory_space<vmem>>
    tpu.enqueue_dma source(%dma_start3A_307 : memref<128x2048xf32, #tpu.memory_space<vmem>>) target(%dma_start3A_303 : memref<128x2048xf32, #tpu.memory_space<any>>) target_semaphore(%dma_start3A_299 : memref<!tpu.dma_semaphore, #tpu.memory_space<semaphore_mem>>)
    %dma_start3A_308 = tpu.memref_slice %arg5[%rem3A_0] : memref<2x!tpu.dma_semaphore, #tpu.memory_space<semaphore_mem>> -> memref<1x!tpu.dma_semaphore, #tpu.memory_space<semaphore_mem>>
    %dma_start3A_309 = tpu.memref_squeeze %dma_start3A_308 : memref<1x!tpu.dma_semaphore, #tpu.memory_space<semaphore_mem>> -> memref<!tpu.dma_semaphore, #tpu.memory_space<semaphore_mem>>
    %dma_start3A_310 = arith.constant 1280 : i32
    %dma_start3A_311 = arith.constant 0 : i32
    %dma_start3A_312 = tpu.memref_slice %arg2[%arg0, %dma_start3A_310, %dma_start3A_311] : memref<16x2048x2048xf32, #tpu.memory_space<any>> -> memref<1x128x2048xf32, #tpu.memory_space<any>>
    %dma_start3A_313 = tpu.memref_squeeze %dma_start3A_312 : memref<1x128x2048xf32, #tpu.memory_space<any>> -> memref<128x2048xf32, #tpu.memory_space<any>>
    %dma_start3A_314 = arith.constant 0 : i32
    %dma_start3A_315 = arith.constant 640 : i32
    %dma_start3A_316 = tpu.memref_slice %arg4[%rem3A_0, %dma_start3A_314, %dma_start3A_315] : memref<2x128x4096xf32, #tpu.memory_space<vmem>> -> memref<1x128x2048xf32, #tpu.memory_space<vmem>>
    %dma_start3A_317 = tpu.memref_squeeze %dma_start3A_316 : memref<1x128x2048xf32, #tpu.memory_space<vmem>> -> memref<128x2048xf32, #tpu.memory_space<vmem>>
    tpu.enqueue_dma source(%dma_start3A_317 : memref<128x2048xf32, #tpu.memory_space<vmem>>) target(%dma_start3A_313 : memref<128x2048xf32, #tpu.memory_space<any>>) target_semaphore(%dma_start3A_309 : memref<!tpu.dma_semaphore, #tpu.memory_space<semaphore_mem>>)
    %dma_start3A_318 = tpu.memref_slice %arg5[%rem3A_0] : memref<2x!tpu.dma_semaphore, #tpu.memory_space<semaphore_mem>> -> memref<1x!tpu.dma_semaphore, #tpu.memory_space<semaphore_mem>>
    %dma_start3A_319 = tpu.memref_squeeze %dma_start3A_318 : memref<1x!tpu.dma_semaphore, #tpu.memory_space<semaphore_mem>> -> memref<!tpu.dma_semaphore, #tpu.memory_space<semaphore_mem>>
    %dma_start3A_320 = arith.constant 1408 : i32
    %dma_start3A_321 = arith.constant 0 : i32
    %dma_start3A_322 = tpu.memref_slice %arg2[%arg0, %dma_start3A_320, %dma_start3A_321] : memref<16x2048x2048xf32, #tpu.memory_space<any>> -> memref<1x128x2048xf32, #tpu.memory_space<any>>
    %dma_start3A_323 = tpu.memref_squeeze %dma_start3A_322 : memref<1x128x2048xf32, #tpu.memory_space<any>> -> memref<128x2048xf32, #tpu.memory_space<any>>
    %dma_start3A_324 = arith.constant 0 : i32
    %dma_start3A_325 = arith.constant 512 : i32
    %dma_start3A_326 = tpu.memref_slice %arg4[%rem3A_0, %dma_start3A_324, %dma_start3A_325] : memref<2x128x4096xf32, #tpu.memory_space<vmem>> -> memref<1x128x2048xf32, #tpu.memory_space<vmem>>
    %dma_start3A_327 = tpu.memref_squeeze %dma_start3A_326 : memref<1x128x2048xf32, #tpu.memory_space<vmem>> -> memref<128x2048xf32, #tpu.memory_space<vmem>>
    tpu.enqueue_dma source(%dma_start3A_327 : memref<128x2048xf32, #tpu.memory_space<vmem>>) target(%dma_start3A_323 : memref<128x2048xf32, #tpu.memory_space<any>>) target_semaphore(%dma_start3A_319 : memref<!tpu.dma_semaphore, #tpu.memory_space<semaphore_mem>>)
    %dma_start3A_328 = tpu.memref_slice %arg5[%rem3A_0] : memref<2x!tpu.dma_semaphore, #tpu.memory_space<semaphore_mem>> -> memref<1x!tpu.dma_semaphore, #tpu.memory_space<semaphore_mem>>
    %dma_start3A_329 = tpu.memref_squeeze %dma_start3A_328 : memref<1x!tpu.dma_semaphore, #tpu.memory_space<semaphore_mem>> -> memref<!tpu.dma_semaphore, #tpu.memory_space<semaphore_mem>>
    %dma_start3A_330 = arith.constant 1536 : i32
    %dma_start3A_331 = arith.constant 0 : i32
    %dma_start3A_332 = tpu.memref_slice %arg2[%arg0, %dma_start3A_330, %dma_start3A_331] : memref<16x2048x2048xf32, #tpu.memory_space<any>> -> memref<1x128x2048xf32, #tpu.memory_space<any>>
    %dma_start3A_333 = tpu.memref_squeeze %dma_start3A_332 : memref<1x128x2048xf32, #tpu.memory_space<any>> -> memref<128x2048xf32, #tpu.memory_space<any>>
    %dma_start3A_334 = arith.constant 0 : i32
    %dma_start3A_335 = arith.constant 384 : i32
    %dma_start3A_336 = tpu.memref_slice %arg4[%rem3A_0, %dma_start3A_334, %dma_start3A_335] : memref<2x128x4096xf32, #tpu.memory_space<vmem>> -> memref<1x128x2048xf32, #tpu.memory_space<vmem>>
    %dma_start3A_337 = tpu.memref_squeeze %dma_start3A_336 : memref<1x128x2048xf32, #tpu.memory_space<vmem>> -> memref<128x2048xf32, #tpu.memory_space<vmem>>
    tpu.enqueue_dma source(%dma_start3A_337 : memref<128x2048xf32, #tpu.memory_space<vmem>>) target(%dma_start3A_333 : memref<128x2048xf32, #tpu.memory_space<any>>) target_semaphore(%dma_start3A_329 : memref<!tpu.dma_semaphore, #tpu.memory_space<semaphore_mem>>)
    %dma_start3A_338 = tpu.memref_slice %arg5[%rem3A_0] : memref<2x!tpu.dma_semaphore, #tpu.memory_space<semaphore_mem>> -> memref<1x!tpu.dma_semaphore, #tpu.memory_space<semaphore_mem>>
    %dma_start3A_339 = tpu.memref_squeeze %dma_start3A_338 : memref<1x!tpu.dma_semaphore, #tpu.memory_space<semaphore_mem>> -> memref<!tpu.dma_semaphore, #tpu.memory_space<semaphore_mem>>
    %dma_start3A_340 = arith.constant 1664 : i32
    %dma_start3A_341 = arith.constant 0 : i32
    %dma_start3A_342 = tpu.memref_slice %arg2[%arg0, %dma_start3A_340, %dma_start3A_341] : memref<16x2048x2048xf32, #tpu.memory_space<any>> -> memref<1x128x2048xf32, #tpu.memory_space<any>>
    %dma_start3A_343 = tpu.memref_squeeze %dma_start3A_342 : memref<1x128x2048xf32, #tpu.memory_space<any>> -> memref<128x2048xf32, #tpu.memory_space<any>>
    %dma_start3A_344 = arith.constant 0 : i32
    %dma_start3A_345 = arith.constant 256 : i32
    %dma_start3A_346 = tpu.memref_slice %arg4[%rem3A_0, %dma_start3A_344, %dma_start3A_345] : memref<2x128x4096xf32, #tpu.memory_space<vmem>> -> memref<1x128x2048xf32, #tpu.memory_space<vmem>>
    %dma_start3A_347 = tpu.memref_squeeze %dma_start3A_346 : memref<1x128x2048xf32, #tpu.memory_space<vmem>> -> memref<128x2048xf32, #tpu.memory_space<vmem>>
    tpu.enqueue_dma source(%dma_start3A_347 : memref<128x2048xf32, #tpu.memory_space<vmem>>) target(%dma_start3A_343 : memref<128x2048xf32, #tpu.memory_space<any>>) target_semaphore(%dma_start3A_339 : memref<!tpu.dma_semaphore, #tpu.memory_space<semaphore_mem>>)
    %dma_start3A_348 = tpu.memref_slice %arg5[%rem3A_0] : memref<2x!tpu.dma_semaphore, #tpu.memory_space<semaphore_mem>> -> memref<1x!tpu.dma_semaphore, #tpu.memory_space<semaphore_mem>>
    %dma_start3A_349 = tpu.memref_squeeze %dma_start3A_348 : memref<1x!tpu.dma_semaphore, #tpu.memory_space<semaphore_mem>> -> memref<!tpu.dma_semaphore, #tpu.memory_space<semaphore_mem>>
    %dma_start3A_350 = arith.constant 1792 : i32
    %dma_start3A_351 = arith.constant 0 : i32
    %dma_start3A_352 = tpu.memref_slice %arg2[%arg0, %dma_start3A_350, %dma_start3A_351] : memref<16x2048x2048xf32, #tpu.memory_space<any>> -> memref<1x128x2048xf32, #tpu.memory_space<any>>
    %dma_start3A_353 = tpu.memref_squeeze %dma_start3A_352 : memref<1x128x2048xf32, #tpu.memory_space<any>> -> memref<128x2048xf32, #tpu.memory_space<any>>
    %dma_start3A_354 = arith.constant 0 : i32
    %dma_start3A_355 = arith.constant 128 : i32
    %dma_start3A_356 = tpu.memref_slice %arg4[%rem3A_0, %dma_start3A_354, %dma_start3A_355] : memref<2x128x4096xf32, #tpu.memory_space<vmem>> -> memref<1x128x2048xf32, #tpu.memory_space<vmem>>
    %dma_start3A_357 = tpu.memref_squeeze %dma_start3A_356 : memref<1x128x2048xf32, #tpu.memory_space<vmem>> -> memref<128x2048xf32, #tpu.memory_space<vmem>>
    tpu.enqueue_dma source(%dma_start3A_357 : memref<128x2048xf32, #tpu.memory_space<vmem>>) target(%dma_start3A_353 : memref<128x2048xf32, #tpu.memory_space<any>>) target_semaphore(%dma_start3A_349 : memref<!tpu.dma_semaphore, #tpu.memory_space<semaphore_mem>>)
    %dma_start3A_358 = tpu.memref_slice %arg5[%rem3A_0] : memref<2x!tpu.dma_semaphore, #tpu.memory_space<semaphore_mem>> -> memref<1x!tpu.dma_semaphore, #tpu.memory_space<semaphore_mem>>
    %dma_start3A_359 = tpu.memref_squeeze %dma_start3A_358 : memref<1x!tpu.dma_semaphore, #tpu.memory_space<semaphore_mem>> -> memref<!tpu.dma_semaphore, #tpu.memory_space<semaphore_mem>>
    %dma_start3A_360 = arith.constant 1920 : i32
    %dma_start3A_361 = arith.constant 0 : i32
    %dma_start3A_362 = tpu.memref_slice %arg2[%arg0, %dma_start3A_360, %dma_start3A_361] : memref<16x2048x2048xf32, #tpu.memory_space<any>> -> memref<1x128x2048xf32, #tpu.memory_space<any>>
    %dma_start3A_363 = tpu.memref_squeeze %dma_start3A_362 : memref<1x128x2048xf32, #tpu.memory_space<any>> -> memref<128x2048xf32, #tpu.memory_space<any>>
    %dma_start3A_364 = arith.constant 0 : i32
    %dma_start3A_365 = arith.constant 0 : i32
    %dma_start3A_366 = tpu.memref_slice %arg4[%rem3A_0, %dma_start3A_364, %dma_start3A_365] : memref<2x128x4096xf32, #tpu.memory_space<vmem>> -> memref<1x128x2048xf32, #tpu.memory_space<vmem>>
    %dma_start3A_367 = tpu.memref_squeeze %dma_start3A_366 : memref<1x128x2048xf32, #tpu.memory_space<vmem>> -> memref<128x2048xf32, #tpu.memory_space<vmem>>
    tpu.enqueue_dma source(%dma_start3A_367 : memref<128x2048xf32, #tpu.memory_space<vmem>>) target(%dma_start3A_363 : memref<128x2048xf32, #tpu.memory_space<any>>) target_semaphore(%dma_start3A_359 : memref<!tpu.dma_semaphore, #tpu.memory_space<semaphore_mem>>)
    %eq3A = arith.constant 15 : i32
    %eq3A_368 = arith.cmpi eq, %arg0, %eq3A : i32
    %convert_element_type3A_369 = arith.extui %eq3A_368 : i1 to i32
    %cond3A_370 = arith.constant 0 : i32
    %cond3A_371 = arith.cmpi ne, %convert_element_type3A_369, %cond3A_370 : i32
    scf.if %cond3A_371 {
      %sub3A = arith.constant 1 : i32
      %sub3A_372 = arith.subi %sub3A, %rem3A_0 : i32
      %sub3A_373 = arith.constant 1 : i32
      %sub3A_374 = arith.subi %arg0, %sub3A_373 : i32
      %dma_wait3A = tpu.memref_slice %arg5[%sub3A_372] : memref<2x!tpu.dma_semaphore, #tpu.memory_space<semaphore_mem>> -> memref<1x!tpu.dma_semaphore, #tpu.memory_space<semaphore_mem>>
      %dma_wait3A_375 = tpu.memref_squeeze %dma_wait3A : memref<1x!tpu.dma_semaphore, #tpu.memory_space<semaphore_mem>> -> memref<!tpu.dma_semaphore, #tpu.memory_space<semaphore_mem>>
      %dma_wait3A_376 = arith.constant 0 : i32
      %dma_wait3A_377 = arith.constant 0 : i32
      %dma_wait3A_378 = tpu.memref_slice %arg2[%sub3A_374, %dma_wait3A_376, %dma_wait3A_377] : memref<16x2048x2048xf32, #tpu.memory_space<any>> -> memref<1x128x2048xf32, #tpu.memory_space<any>>
      %dma_wait3A_379 = tpu.memref_squeeze %dma_wait3A_378 : memref<1x128x2048xf32, #tpu.memory_space<any>> -> memref<128x2048xf32, #tpu.memory_space<any>>
      %dma_wait3A_380 = arith.constant 0 : i32
      %dma_wait3A_381 = arith.constant 1920 : i32
      %dma_wait3A_382 = tpu.memref_slice %arg4[%sub3A_372, %dma_wait3A_380, %dma_wait3A_381] : memref<2x128x4096xf32, #tpu.memory_space<vmem>> -> memref<1x128x2048xf32, #tpu.memory_space<vmem>>
      %dma_wait3A_383 = tpu.memref_squeeze %dma_wait3A_382 : memref<1x128x2048xf32, #tpu.memory_space<vmem>> -> memref<128x2048xf32, #tpu.memory_space<vmem>>
      tpu.wait_dma2 semaphore(%dma_wait3A_375 : memref<!tpu.dma_semaphore, #tpu.memory_space<semaphore_mem>>) src(%dma_wait3A_383 : memref<128x2048xf32, #tpu.memory_space<vmem>>) dst(%dma_wait3A_379 : memref<128x2048xf32, #tpu.memory_space<any>>)
      %sub3A_384 = arith.constant 1 : i32
      %sub3A_385 = arith.subi %sub3A_384, %rem3A_0 : i32
      %sub3A_386 = arith.constant 1 : i32
      %sub3A_387 = arith.subi %arg0, %sub3A_386 : i32
      %dma_wait3A_388 = tpu.memref_slice %arg5[%sub3A_385] : memref<2x!tpu.dma_semaphore, #tpu.memory_space<semaphore_mem>> -> memref<1x!tpu.dma_semaphore, #tpu.memory_space<semaphore_mem>>
      %dma_wait3A_389 = tpu.memref_squeeze %dma_wait3A_388 : memref<1x!tpu.dma_semaphore, #tpu.memory_space<semaphore_mem>> -> memref<!tpu.dma_semaphore, #tpu.memory_space<semaphore_mem>>
      %dma_wait3A_390 = arith.constant 128 : i32
      %dma_wait3A_391 = arith.constant 0 : i32
      %dma_wait3A_392 = tpu.memref_slice %arg2[%sub3A_387, %dma_wait3A_390, %dma_wait3A_391] : memref<16x2048x2048xf32, #tpu.memory_space<any>> -> memref<1x128x2048xf32, #tpu.memory_space<any>>
      %dma_wait3A_393 = tpu.memref_squeeze %dma_wait3A_392 : memref<1x128x2048xf32, #tpu.memory_space<any>> -> memref<128x2048xf32, #tpu.memory_space<any>>
      %dma_wait3A_394 = arith.constant 0 : i32
      %dma_wait3A_395 = arith.constant 1792 : i32
      %dma_wait3A_396 = tpu.memref_slice %arg4[%sub3A_385, %dma_wait3A_394, %dma_wait3A_395] : memref<2x128x4096xf32, #tpu.memory_space<vmem>> -> memref<1x128x2048xf32, #tpu.memory_space<vmem>>
      %dma_wait3A_397 = tpu.memref_squeeze %dma_wait3A_396 : memref<1x128x2048xf32, #tpu.memory_space<vmem>> -> memref<128x2048xf32, #tpu.memory_space<vmem>>
      tpu.wait_dma2 semaphore(%dma_wait3A_389 : memref<!tpu.dma_semaphore, #tpu.memory_space<semaphore_mem>>) src(%dma_wait3A_397 : memref<128x2048xf32, #tpu.memory_space<vmem>>) dst(%dma_wait3A_393 : memref<128x2048xf32, #tpu.memory_space<any>>)
      %sub3A_398 = arith.constant 1 : i32
      %sub3A_399 = arith.subi %sub3A_398, %rem3A_0 : i32
      %sub3A_400 = arith.constant 1 : i32
      %sub3A_401 = arith.subi %arg0, %sub3A_400 : i32
      %dma_wait3A_402 = tpu.memref_slice %arg5[%sub3A_399] : memref<2x!tpu.dma_semaphore, #tpu.memory_space<semaphore_mem>> -> memref<1x!tpu.dma_semaphore, #tpu.memory_space<semaphore_mem>>
      %dma_wait3A_403 = tpu.memref_squeeze %dma_wait3A_402 : memref<1x!tpu.dma_semaphore, #tpu.memory_space<semaphore_mem>> -> memref<!tpu.dma_semaphore, #tpu.memory_space<semaphore_mem>>
      %dma_wait3A_404 = arith.constant 256 : i32
      %dma_wait3A_405 = arith.constant 0 : i32
      %dma_wait3A_406 = tpu.memref_slice %arg2[%sub3A_401, %dma_wait3A_404, %dma_wait3A_405] : memref<16x2048x2048xf32, #tpu.memory_space<any>> -> memref<1x128x2048xf32, #tpu.memory_space<any>>
      %dma_wait3A_407 = tpu.memref_squeeze %dma_wait3A_406 : memref<1x128x2048xf32, #tpu.memory_space<any>> -> memref<128x2048xf32, #tpu.memory_space<any>>
      %dma_wait3A_408 = arith.constant 0 : i32
      %dma_wait3A_409 = arith.constant 1664 : i32
      %dma_wait3A_410 = tpu.memref_slice %arg4[%sub3A_399, %dma_wait3A_408, %dma_wait3A_409] : memref<2x128x4096xf32, #tpu.memory_space<vmem>> -> memref<1x128x2048xf32, #tpu.memory_space<vmem>>
      %dma_wait3A_411 = tpu.memref_squeeze %dma_wait3A_410 : memref<1x128x2048xf32, #tpu.memory_space<vmem>> -> memref<128x2048xf32, #tpu.memory_space<vmem>>
      tpu.wait_dma2 semaphore(%dma_wait3A_403 : memref<!tpu.dma_semaphore, #tpu.memory_space<semaphore_mem>>) src(%dma_wait3A_411 : memref<128x2048xf32, #tpu.memory_space<vmem>>) dst(%dma_wait3A_407 : memref<128x2048xf32, #tpu.memory_space<any>>)
      %sub3A_412 = arith.constant 1 : i32
      %sub3A_413 = arith.subi %sub3A_412, %rem3A_0 : i32
      %sub3A_414 = arith.constant 1 : i32
      %sub3A_415 = arith.subi %arg0, %sub3A_414 : i32
      %dma_wait3A_416 = tpu.memref_slice %arg5[%sub3A_413] : memref<2x!tpu.dma_semaphore, #tpu.memory_space<semaphore_mem>> -> memref<1x!tpu.dma_semaphore, #tpu.memory_space<semaphore_mem>>
      %dma_wait3A_417 = tpu.memref_squeeze %dma_wait3A_416 : memref<1x!tpu.dma_semaphore, #tpu.memory_space<semaphore_mem>> -> memref<!tpu.dma_semaphore, #tpu.memory_space<semaphore_mem>>
      %dma_wait3A_418 = arith.constant 384 : i32
      %dma_wait3A_419 = arith.constant 0 : i32
      %dma_wait3A_420 = tpu.memref_slice %arg2[%sub3A_415, %dma_wait3A_418, %dma_wait3A_419] : memref<16x2048x2048xf32, #tpu.memory_space<any>> -> memref<1x128x2048xf32, #tpu.memory_space<any>>
      %dma_wait3A_421 = tpu.memref_squeeze %dma_wait3A_420 : memref<1x128x2048xf32, #tpu.memory_space<any>> -> memref<128x2048xf32, #tpu.memory_space<any>>
      %dma_wait3A_422 = arith.constant 0 : i32
      %dma_wait3A_423 = arith.constant 1536 : i32
      %dma_wait3A_424 = tpu.memref_slice %arg4[%sub3A_413, %dma_wait3A_422, %dma_wait3A_423] : memref<2x128x4096xf32, #tpu.memory_space<vmem>> -> memref<1x128x2048xf32, #tpu.memory_space<vmem>>
      %dma_wait3A_425 = tpu.memref_squeeze %dma_wait3A_424 : memref<1x128x2048xf32, #tpu.memory_space<vmem>> -> memref<128x2048xf32, #tpu.memory_space<vmem>>
      tpu.wait_dma2 semaphore(%dma_wait3A_417 : memref<!tpu.dma_semaphore, #tpu.memory_space<semaphore_mem>>) src(%dma_wait3A_425 : memref<128x2048xf32, #tpu.memory_space<vmem>>) dst(%dma_wait3A_421 : memref<128x2048xf32, #tpu.memory_space<any>>)
      %sub3A_426 = arith.constant 1 : i32
      %sub3A_427 = arith.subi %sub3A_426, %rem3A_0 : i32
      %sub3A_428 = arith.constant 1 : i32
      %sub3A_429 = arith.subi %arg0, %sub3A_428 : i32
      %dma_wait3A_430 = tpu.memref_slice %arg5[%sub3A_427] : memref<2x!tpu.dma_semaphore, #tpu.memory_space<semaphore_mem>> -> memref<1x!tpu.dma_semaphore, #tpu.memory_space<semaphore_mem>>
      %dma_wait3A_431 = tpu.memref_squeeze %dma_wait3A_430 : memref<1x!tpu.dma_semaphore, #tpu.memory_space<semaphore_mem>> -> memref<!tpu.dma_semaphore, #tpu.memory_space<semaphore_mem>>
      %dma_wait3A_432 = arith.constant 512 : i32
      %dma_wait3A_433 = arith.constant 0 : i32
      %dma_wait3A_434 = tpu.memref_slice %arg2[%sub3A_429, %dma_wait3A_432, %dma_wait3A_433] : memref<16x2048x2048xf32, #tpu.memory_space<any>> -> memref<1x128x2048xf32, #tpu.memory_space<any>>
      %dma_wait3A_435 = tpu.memref_squeeze %dma_wait3A_434 : memref<1x128x2048xf32, #tpu.memory_space<any>> -> memref<128x2048xf32, #tpu.memory_space<any>>
      %dma_wait3A_436 = arith.constant 0 : i32
      %dma_wait3A_437 = arith.constant 1408 : i32
      %dma_wait3A_438 = tpu.memref_slice %arg4[%sub3A_427, %dma_wait3A_436, %dma_wait3A_437] : memref<2x128x4096xf32, #tpu.memory_space<vmem>> -> memref<1x128x2048xf32, #tpu.memory_space<vmem>>
      %dma_wait3A_439 = tpu.memref_squeeze %dma_wait3A_438 : memref<1x128x2048xf32, #tpu.memory_space<vmem>> -> memref<128x2048xf32, #tpu.memory_space<vmem>>
      tpu.wait_dma2 semaphore(%dma_wait3A_431 : memref<!tpu.dma_semaphore, #tpu.memory_space<semaphore_mem>>) src(%dma_wait3A_439 : memref<128x2048xf32, #tpu.memory_space<vmem>>) dst(%dma_wait3A_435 : memref<128x2048xf32, #tpu.memory_space<any>>)
      %sub3A_440 = arith.constant 1 : i32
      %sub3A_441 = arith.subi %sub3A_440, %rem3A_0 : i32
      %sub3A_442 = arith.constant 1 : i32
      %sub3A_443 = arith.subi %arg0, %sub3A_442 : i32
      %dma_wait3A_444 = tpu.memref_slice %arg5[%sub3A_441] : memref<2x!tpu.dma_semaphore, #tpu.memory_space<semaphore_mem>> -> memref<1x!tpu.dma_semaphore, #tpu.memory_space<semaphore_mem>>
      %dma_wait3A_445 = tpu.memref_squeeze %dma_wait3A_444 : memref<1x!tpu.dma_semaphore, #tpu.memory_space<semaphore_mem>> -> memref<!tpu.dma_semaphore, #tpu.memory_space<semaphore_mem>>
      %dma_wait3A_446 = arith.constant 640 : i32
      %dma_wait3A_447 = arith.constant 0 : i32
      %dma_wait3A_448 = tpu.memref_slice %arg2[%sub3A_443, %dma_wait3A_446, %dma_wait3A_447] : memref<16x2048x2048xf32, #tpu.memory_space<any>> -> memref<1x128x2048xf32, #tpu.memory_space<any>>
      %dma_wait3A_449 = tpu.memref_squeeze %dma_wait3A_448 : memref<1x128x2048xf32, #tpu.memory_space<any>> -> memref<128x2048xf32, #tpu.memory_space<any>>
      %dma_wait3A_450 = arith.constant 0 : i32
      %dma_wait3A_451 = arith.constant 1280 : i32
      %dma_wait3A_452 = tpu.memref_slice %arg4[%sub3A_441, %dma_wait3A_450, %dma_wait3A_451] : memref<2x128x4096xf32, #tpu.memory_space<vmem>> -> memref<1x128x2048xf32, #tpu.memory_space<vmem>>
      %dma_wait3A_453 = tpu.memref_squeeze %dma_wait3A_452 : memref<1x128x2048xf32, #tpu.memory_space<vmem>> -> memref<128x2048xf32, #tpu.memory_space<vmem>>
      tpu.wait_dma2 semaphore(%dma_wait3A_445 : memref<!tpu.dma_semaphore, #tpu.memory_space<semaphore_mem>>) src(%dma_wait3A_453 : memref<128x2048xf32, #tpu.memory_space<vmem>>) dst(%dma_wait3A_449 : memref<128x2048xf32, #tpu.memory_space<any>>)
      %sub3A_454 = arith.constant 1 : i32
      %sub3A_455 = arith.subi %sub3A_454, %rem3A_0 : i32
      %sub3A_456 = arith.constant 1 : i32
      %sub3A_457 = arith.subi %arg0, %sub3A_456 : i32
      %dma_wait3A_458 = tpu.memref_slice %arg5[%sub3A_455] : memref<2x!tpu.dma_semaphore, #tpu.memory_space<semaphore_mem>> -> memref<1x!tpu.dma_semaphore, #tpu.memory_space<semaphore_mem>>
      %dma_wait3A_459 = tpu.memref_squeeze %dma_wait3A_458 : memref<1x!tpu.dma_semaphore, #tpu.memory_space<semaphore_mem>> -> memref<!tpu.dma_semaphore, #tpu.memory_space<semaphore_mem>>
      %dma_wait3A_460 = arith.constant 768 : i32
      %dma_wait3A_461 = arith.constant 0 : i32
      %dma_wait3A_462 = tpu.memref_slice %arg2[%sub3A_457, %dma_wait3A_460, %dma_wait3A_461] : memref<16x2048x2048xf32, #tpu.memory_space<any>> -> memref<1x128x2048xf32, #tpu.memory_space<any>>
      %dma_wait3A_463 = tpu.memref_squeeze %dma_wait3A_462 : memref<1x128x2048xf32, #tpu.memory_space<any>> -> memref<128x2048xf32, #tpu.memory_space<any>>
      %dma_wait3A_464 = arith.constant 0 : i32
      %dma_wait3A_465 = arith.constant 1152 : i32
      %dma_wait3A_466 = tpu.memref_slice %arg4[%sub3A_455, %dma_wait3A_464, %dma_wait3A_465] : memref<2x128x4096xf32, #tpu.memory_space<vmem>> -> memref<1x128x2048xf32, #tpu.memory_space<vmem>>
      %dma_wait3A_467 = tpu.memref_squeeze %dma_wait3A_466 : memref<1x128x2048xf32, #tpu.memory_space<vmem>> -> memref<128x2048xf32, #tpu.memory_space<vmem>>
      tpu.wait_dma2 semaphore(%dma_wait3A_459 : memref<!tpu.dma_semaphore, #tpu.memory_space<semaphore_mem>>) src(%dma_wait3A_467 : memref<128x2048xf32, #tpu.memory_space<vmem>>) dst(%dma_wait3A_463 : memref<128x2048xf32, #tpu.memory_space<any>>)
      %sub3A_468 = arith.constant 1 : i32
      %sub3A_469 = arith.subi %sub3A_468, %rem3A_0 : i32
      %sub3A_470 = arith.constant 1 : i32
      %sub3A_471 = arith.subi %arg0, %sub3A_470 : i32
      %dma_wait3A_472 = tpu.memref_slice %arg5[%sub3A_469] : memref<2x!tpu.dma_semaphore, #tpu.memory_space<semaphore_mem>> -> memref<1x!tpu.dma_semaphore, #tpu.memory_space<semaphore_mem>>
      %dma_wait3A_473 = tpu.memref_squeeze %dma_wait3A_472 : memref<1x!tpu.dma_semaphore, #tpu.memory_space<semaphore_mem>> -> memref<!tpu.dma_semaphore, #tpu.memory_space<semaphore_mem>>
      %dma_wait3A_474 = arith.constant 896 : i32
      %dma_wait3A_475 = arith.constant 0 : i32
      %dma_wait3A_476 = tpu.memref_slice %arg2[%sub3A_471, %dma_wait3A_474, %dma_wait3A_475] : memref<16x2048x2048xf32, #tpu.memory_space<any>> -> memref<1x128x2048xf32, #tpu.memory_space<any>>
      %dma_wait3A_477 = tpu.memref_squeeze %dma_wait3A_476 : memref<1x128x2048xf32, #tpu.memory_space<any>> -> memref<128x2048xf32, #tpu.memory_space<any>>
      %dma_wait3A_478 = arith.constant 0 : i32
      %dma_wait3A_479 = arith.constant 1024 : i32
      %dma_wait3A_480 = tpu.memref_slice %arg4[%sub3A_469, %dma_wait3A_478, %dma_wait3A_479] : memref<2x128x4096xf32, #tpu.memory_space<vmem>> -> memref<1x128x2048xf32, #tpu.memory_space<vmem>>
      %dma_wait3A_481 = tpu.memref_squeeze %dma_wait3A_480 : memref<1x128x2048xf32, #tpu.memory_space<vmem>> -> memref<128x2048xf32, #tpu.memory_space<vmem>>
      tpu.wait_dma2 semaphore(%dma_wait3A_473 : memref<!tpu.dma_semaphore, #tpu.memory_space<semaphore_mem>>) src(%dma_wait3A_481 : memref<128x2048xf32, #tpu.memory_space<vmem>>) dst(%dma_wait3A_477 : memref<128x2048xf32, #tpu.memory_space<any>>)
      %sub3A_482 = arith.constant 1 : i32
      %sub3A_483 = arith.subi %sub3A_482, %rem3A_0 : i32
      %sub3A_484 = arith.constant 1 : i32
      %sub3A_485 = arith.subi %arg0, %sub3A_484 : i32
      %dma_wait3A_486 = tpu.memref_slice %arg5[%sub3A_483] : memref<2x!tpu.dma_semaphore, #tpu.memory_space<semaphore_mem>> -> memref<1x!tpu.dma_semaphore, #tpu.memory_space<semaphore_mem>>
      %dma_wait3A_487 = tpu.memref_squeeze %dma_wait3A_486 : memref<1x!tpu.dma_semaphore, #tpu.memory_space<semaphore_mem>> -> memref<!tpu.dma_semaphore, #tpu.memory_space<semaphore_mem>>
      %dma_wait3A_488 = arith.constant 1024 : i32
      %dma_wait3A_489 = arith.constant 0 : i32
      %dma_wait3A_490 = tpu.memref_slice %arg2[%sub3A_485, %dma_wait3A_488, %dma_wait3A_489] : memref<16x2048x2048xf32, #tpu.memory_space<any>> -> memref<1x128x2048xf32, #tpu.memory_space<any>>
      %dma_wait3A_491 = tpu.memref_squeeze %dma_wait3A_490 : memref<1x128x2048xf32, #tpu.memory_space<any>> -> memref<128x2048xf32, #tpu.memory_space<any>>
      %dma_wait3A_492 = arith.constant 0 : i32
      %dma_wait3A_493 = arith.constant 896 : i32
      %dma_wait3A_494 = tpu.memref_slice %arg4[%sub3A_483, %dma_wait3A_492, %dma_wait3A_493] : memref<2x128x4096xf32, #tpu.memory_space<vmem>> -> memref<1x128x2048xf32, #tpu.memory_space<vmem>>
      %dma_wait3A_495 = tpu.memref_squeeze %dma_wait3A_494 : memref<1x128x2048xf32, #tpu.memory_space<vmem>> -> memref<128x2048xf32, #tpu.memory_space<vmem>>
      tpu.wait_dma2 semaphore(%dma_wait3A_487 : memref<!tpu.dma_semaphore, #tpu.memory_space<semaphore_mem>>) src(%dma_wait3A_495 : memref<128x2048xf32, #tpu.memory_space<vmem>>) dst(%dma_wait3A_491 : memref<128x2048xf32, #tpu.memory_space<any>>)
      %sub3A_496 = arith.constant 1 : i32
      %sub3A_497 = arith.subi %sub3A_496, %rem3A_0 : i32
      %sub3A_498 = arith.constant 1 : i32
      %sub3A_499 = arith.subi %arg0, %sub3A_498 : i32
      %dma_wait3A_500 = tpu.memref_slice %arg5[%sub3A_497] : memref<2x!tpu.dma_semaphore, #tpu.memory_space<semaphore_mem>> -> memref<1x!tpu.dma_semaphore, #tpu.memory_space<semaphore_mem>>
      %dma_wait3A_501 = tpu.memref_squeeze %dma_wait3A_500 : memref<1x!tpu.dma_semaphore, #tpu.memory_space<semaphore_mem>> -> memref<!tpu.dma_semaphore, #tpu.memory_space<semaphore_mem>>
      %dma_wait3A_502 = arith.constant 1152 : i32
      %dma_wait3A_503 = arith.constant 0 : i32
      %dma_wait3A_504 = tpu.memref_slice %arg2[%sub3A_499, %dma_wait3A_502, %dma_wait3A_503] : memref<16x2048x2048xf32, #tpu.memory_space<any>> -> memref<1x128x2048xf32, #tpu.memory_space<any>>
      %dma_wait3A_505 = tpu.memref_squeeze %dma_wait3A_504 : memref<1x128x2048xf32, #tpu.memory_space<any>> -> memref<128x2048xf32, #tpu.memory_space<any>>
      %dma_wait3A_506 = arith.constant 0 : i32
      %dma_wait3A_507 = arith.constant 768 : i32
      %dma_wait3A_508 = tpu.memref_slice %arg4[%sub3A_497, %dma_wait3A_506, %dma_wait3A_507] : memref<2x128x4096xf32, #tpu.memory_space<vmem>> -> memref<1x128x2048xf32, #tpu.memory_space<vmem>>
      %dma_wait3A_509 = tpu.memref_squeeze %dma_wait3A_508 : memref<1x128x2048xf32, #tpu.memory_space<vmem>> -> memref<128x2048xf32, #tpu.memory_space<vmem>>
      tpu.wait_dma2 semaphore(%dma_wait3A_501 : memref<!tpu.dma_semaphore, #tpu.memory_space<semaphore_mem>>) src(%dma_wait3A_509 : memref<128x2048xf32, #tpu.memory_space<vmem>>) dst(%dma_wait3A_505 : memref<128x2048xf32, #tpu.memory_space<any>>)
      %sub3A_510 = arith.constant 1 : i32
      %sub3A_511 = arith.subi %sub3A_510, %rem3A_0 : i32
      %sub3A_512 = arith.constant 1 : i32
      %sub3A_513 = arith.subi %arg0, %sub3A_512 : i32
      %dma_wait3A_514 = tpu.memref_slice %arg5[%sub3A_511] : memref<2x!tpu.dma_semaphore, #tpu.memory_space<semaphore_mem>> -> memref<1x!tpu.dma_semaphore, #tpu.memory_space<semaphore_mem>>
      %dma_wait3A_515 = tpu.memref_squeeze %dma_wait3A_514 : memref<1x!tpu.dma_semaphore, #tpu.memory_space<semaphore_mem>> -> memref<!tpu.dma_semaphore, #tpu.memory_space<semaphore_mem>>
      %dma_wait3A_516 = arith.constant 1280 : i32
      %dma_wait3A_517 = arith.constant 0 : i32
      %dma_wait3A_518 = tpu.memref_slice %arg2[%sub3A_513, %dma_wait3A_516, %dma_wait3A_517] : memref<16x2048x2048xf32, #tpu.memory_space<any>> -> memref<1x128x2048xf32, #tpu.memory_space<any>>
      %dma_wait3A_519 = tpu.memref_squeeze %dma_wait3A_518 : memref<1x128x2048xf32, #tpu.memory_space<any>> -> memref<128x2048xf32, #tpu.memory_space<any>>
      %dma_wait3A_520 = arith.constant 0 : i32
      %dma_wait3A_521 = arith.constant 640 : i32
      %dma_wait3A_522 = tpu.memref_slice %arg4[%sub3A_511, %dma_wait3A_520, %dma_wait3A_521] : memref<2x128x4096xf32, #tpu.memory_space<vmem>> -> memref<1x128x2048xf32, #tpu.memory_space<vmem>>
      %dma_wait3A_523 = tpu.memref_squeeze %dma_wait3A_522 : memref<1x128x2048xf32, #tpu.memory_space<vmem>> -> memref<128x2048xf32, #tpu.memory_space<vmem>>
      tpu.wait_dma2 semaphore(%dma_wait3A_515 : memref<!tpu.dma_semaphore, #tpu.memory_space<semaphore_mem>>) src(%dma_wait3A_523 : memref<128x2048xf32, #tpu.memory_space<vmem>>) dst(%dma_wait3A_519 : memref<128x2048xf32, #tpu.memory_space<any>>)
      %sub3A_524 = arith.constant 1 : i32
      %sub3A_525 = arith.subi %sub3A_524, %rem3A_0 : i32
      %sub3A_526 = arith.constant 1 : i32
      %sub3A_527 = arith.subi %arg0, %sub3A_526 : i32
      %dma_wait3A_528 = tpu.memref_slice %arg5[%sub3A_525] : memref<2x!tpu.dma_semaphore, #tpu.memory_space<semaphore_mem>> -> memref<1x!tpu.dma_semaphore, #tpu.memory_space<semaphore_mem>>
      %dma_wait3A_529 = tpu.memref_squeeze %dma_wait3A_528 : memref<1x!tpu.dma_semaphore, #tpu.memory_space<semaphore_mem>> -> memref<!tpu.dma_semaphore, #tpu.memory_space<semaphore_mem>>
      %dma_wait3A_530 = arith.constant 1408 : i32
      %dma_wait3A_531 = arith.constant 0 : i32
      %dma_wait3A_532 = tpu.memref_slice %arg2[%sub3A_527, %dma_wait3A_530, %dma_wait3A_531] : memref<16x2048x2048xf32, #tpu.memory_space<any>> -> memref<1x128x2048xf32, #tpu.memory_space<any>>
      %dma_wait3A_533 = tpu.memref_squeeze %dma_wait3A_532 : memref<1x128x2048xf32, #tpu.memory_space<any>> -> memref<128x2048xf32, #tpu.memory_space<any>>
      %dma_wait3A_534 = arith.constant 0 : i32
      %dma_wait3A_535 = arith.constant 512 : i32
      %dma_wait3A_536 = tpu.memref_slice %arg4[%sub3A_525, %dma_wait3A_534, %dma_wait3A_535] : memref<2x128x4096xf32, #tpu.memory_space<vmem>> -> memref<1x128x2048xf32, #tpu.memory_space<vmem>>
      %dma_wait3A_537 = tpu.memref_squeeze %dma_wait3A_536 : memref<1x128x2048xf32, #tpu.memory_space<vmem>> -> memref<128x2048xf32, #tpu.memory_space<vmem>>
      tpu.wait_dma2 semaphore(%dma_wait3A_529 : memref<!tpu.dma_semaphore, #tpu.memory_space<semaphore_mem>>) src(%dma_wait3A_537 : memref<128x2048xf32, #tpu.memory_space<vmem>>) dst(%dma_wait3A_533 : memref<128x2048xf32, #tpu.memory_space<any>>)
      %sub3A_538 = arith.constant 1 : i32
      %sub3A_539 = arith.subi %sub3A_538, %rem3A_0 : i32
      %sub3A_540 = arith.constant 1 : i32
      %sub3A_541 = arith.subi %arg0, %sub3A_540 : i32
      %dma_wait3A_542 = tpu.memref_slice %arg5[%sub3A_539] : memref<2x!tpu.dma_semaphore, #tpu.memory_space<semaphore_mem>> -> memref<1x!tpu.dma_semaphore, #tpu.memory_space<semaphore_mem>>
      %dma_wait3A_543 = tpu.memref_squeeze %dma_wait3A_542 : memref<1x!tpu.dma_semaphore, #tpu.memory_space<semaphore_mem>> -> memref<!tpu.dma_semaphore, #tpu.memory_space<semaphore_mem>>
      %dma_wait3A_544 = arith.constant 1536 : i32
      %dma_wait3A_545 = arith.constant 0 : i32
      %dma_wait3A_546 = tpu.memref_slice %arg2[%sub3A_541, %dma_wait3A_544, %dma_wait3A_545] : memref<16x2048x2048xf32, #tpu.memory_space<any>> -> memref<1x128x2048xf32, #tpu.memory_space<any>>
      %dma_wait3A_547 = tpu.memref_squeeze %dma_wait3A_546 : memref<1x128x2048xf32, #tpu.memory_space<any>> -> memref<128x2048xf32, #tpu.memory_space<any>>
      %dma_wait3A_548 = arith.constant 0 : i32
      %dma_wait3A_549 = arith.constant 384 : i32
      %dma_wait3A_550 = tpu.memref_slice %arg4[%sub3A_539, %dma_wait3A_548, %dma_wait3A_549] : memref<2x128x4096xf32, #tpu.memory_space<vmem>> -> memref<1x128x2048xf32, #tpu.memory_space<vmem>>
      %dma_wait3A_551 = tpu.memref_squeeze %dma_wait3A_550 : memref<1x128x2048xf32, #tpu.memory_space<vmem>> -> memref<128x2048xf32, #tpu.memory_space<vmem>>
      tpu.wait_dma2 semaphore(%dma_wait3A_543 : memref<!tpu.dma_semaphore, #tpu.memory_space<semaphore_mem>>) src(%dma_wait3A_551 : memref<128x2048xf32, #tpu.memory_space<vmem>>) dst(%dma_wait3A_547 : memref<128x2048xf32, #tpu.memory_space<any>>)
      %sub3A_552 = arith.constant 1 : i32
      %sub3A_553 = arith.subi %sub3A_552, %rem3A_0 : i32
      %sub3A_554 = arith.constant 1 : i32
      %sub3A_555 = arith.subi %arg0, %sub3A_554 : i32
      %dma_wait3A_556 = tpu.memref_slice %arg5[%sub3A_553] : memref<2x!tpu.dma_semaphore, #tpu.memory_space<semaphore_mem>> -> memref<1x!tpu.dma_semaphore, #tpu.memory_space<semaphore_mem>>
      %dma_wait3A_557 = tpu.memref_squeeze %dma_wait3A_556 : memref<1x!tpu.dma_semaphore, #tpu.memory_space<semaphore_mem>> -> memref<!tpu.dma_semaphore, #tpu.memory_space<semaphore_mem>>
      %dma_wait3A_558 = arith.constant 1664 : i32
      %dma_wait3A_559 = arith.constant 0 : i32
      %dma_wait3A_560 = tpu.memref_slice %arg2[%sub3A_555, %dma_wait3A_558, %dma_wait3A_559] : memref<16x2048x2048xf32, #tpu.memory_space<any>> -> memref<1x128x2048xf32, #tpu.memory_space<any>>
      %dma_wait3A_561 = tpu.memref_squeeze %dma_wait3A_560 : memref<1x128x2048xf32, #tpu.memory_space<any>> -> memref<128x2048xf32, #tpu.memory_space<any>>
      %dma_wait3A_562 = arith.constant 0 : i32
      %dma_wait3A_563 = arith.constant 256 : i32
      %dma_wait3A_564 = tpu.memref_slice %arg4[%sub3A_553, %dma_wait3A_562, %dma_wait3A_563] : memref<2x128x4096xf32, #tpu.memory_space<vmem>> -> memref<1x128x2048xf32, #tpu.memory_space<vmem>>
      %dma_wait3A_565 = tpu.memref_squeeze %dma_wait3A_564 : memref<1x128x2048xf32, #tpu.memory_space<vmem>> -> memref<128x2048xf32, #tpu.memory_space<vmem>>
      tpu.wait_dma2 semaphore(%dma_wait3A_557 : memref<!tpu.dma_semaphore, #tpu.memory_space<semaphore_mem>>) src(%dma_wait3A_565 : memref<128x2048xf32, #tpu.memory_space<vmem>>) dst(%dma_wait3A_561 : memref<128x2048xf32, #tpu.memory_space<any>>)
      %sub3A_566 = arith.constant 1 : i32
      %sub3A_567 = arith.subi %sub3A_566, %rem3A_0 : i32
      %sub3A_568 = arith.constant 1 : i32
      %sub3A_569 = arith.subi %arg0, %sub3A_568 : i32
      %dma_wait3A_570 = tpu.memref_slice %arg5[%sub3A_567] : memref<2x!tpu.dma_semaphore, #tpu.memory_space<semaphore_mem>> -> memref<1x!tpu.dma_semaphore, #tpu.memory_space<semaphore_mem>>
      %dma_wait3A_571 = tpu.memref_squeeze %dma_wait3A_570 : memref<1x!tpu.dma_semaphore, #tpu.memory_space<semaphore_mem>> -> memref<!tpu.dma_semaphore, #tpu.memory_space<semaphore_mem>>
      %dma_wait3A_572 = arith.constant 1792 : i32
      %dma_wait3A_573 = arith.constant 0 : i32
      %dma_wait3A_574 = tpu.memref_slice %arg2[%sub3A_569, %dma_wait3A_572, %dma_wait3A_573] : memref<16x2048x2048xf32, #tpu.memory_space<any>> -> memref<1x128x2048xf32, #tpu.memory_space<any>>
      %dma_wait3A_575 = tpu.memref_squeeze %dma_wait3A_574 : memref<1x128x2048xf32, #tpu.memory_space<any>> -> memref<128x2048xf32, #tpu.memory_space<any>>
      %dma_wait3A_576 = arith.constant 0 : i32
      %dma_wait3A_577 = arith.constant 128 : i32
      %dma_wait3A_578 = tpu.memref_slice %arg4[%sub3A_567, %dma_wait3A_576, %dma_wait3A_577] : memref<2x128x4096xf32, #tpu.memory_space<vmem>> -> memref<1x128x2048xf32, #tpu.memory_space<vmem>>
      %dma_wait3A_579 = tpu.memref_squeeze %dma_wait3A_578 : memref<1x128x2048xf32, #tpu.memory_space<vmem>> -> memref<128x2048xf32, #tpu.memory_space<vmem>>
      tpu.wait_dma2 semaphore(%dma_wait3A_571 : memref<!tpu.dma_semaphore, #tpu.memory_space<semaphore_mem>>) src(%dma_wait3A_579 : memref<128x2048xf32, #tpu.memory_space<vmem>>) dst(%dma_wait3A_575 : memref<128x2048xf32, #tpu.memory_space<any>>)
      %sub3A_580 = arith.constant 1 : i32
      %sub3A_581 = arith.subi %sub3A_580, %rem3A_0 : i32
      %sub3A_582 = arith.constant 1 : i32
      %sub3A_583 = arith.subi %arg0, %sub3A_582 : i32
      %dma_wait3A_584 = tpu.memref_slice %arg5[%sub3A_581] : memref<2x!tpu.dma_semaphore, #tpu.memory_space<semaphore_mem>> -> memref<1x!tpu.dma_semaphore, #tpu.memory_space<semaphore_mem>>
      %dma_wait3A_585 = tpu.memref_squeeze %dma_wait3A_584 : memref<1x!tpu.dma_semaphore, #tpu.memory_space<semaphore_mem>> -> memref<!tpu.dma_semaphore, #tpu.memory_space<semaphore_mem>>
      %dma_wait3A_586 = arith.constant 1920 : i32
      %dma_wait3A_587 = arith.constant 0 : i32
      %dma_wait3A_588 = tpu.memref_slice %arg2[%sub3A_583, %dma_wait3A_586, %dma_wait3A_587] : memref<16x2048x2048xf32, #tpu.memory_space<any>> -> memref<1x128x2048xf32, #tpu.memory_space<any>>
      %dma_wait3A_589 = tpu.memref_squeeze %dma_wait3A_588 : memref<1x128x2048xf32, #tpu.memory_space<any>> -> memref<128x2048xf32, #tpu.memory_space<any>>
      %dma_wait3A_590 = arith.constant 0 : i32
      %dma_wait3A_591 = arith.constant 0 : i32
      %dma_wait3A_592 = tpu.memref_slice %arg4[%sub3A_581, %dma_wait3A_590, %dma_wait3A_591] : memref<2x128x4096xf32, #tpu.memory_space<vmem>> -> memref<1x128x2048xf32, #tpu.memory_space<vmem>>
      %dma_wait3A_593 = tpu.memref_squeeze %dma_wait3A_592 : memref<1x128x2048xf32, #tpu.memory_space<vmem>> -> memref<128x2048xf32, #tpu.memory_space<vmem>>
      tpu.wait_dma2 semaphore(%dma_wait3A_585 : memref<!tpu.dma_semaphore, #tpu.memory_space<semaphore_mem>>) src(%dma_wait3A_593 : memref<128x2048xf32, #tpu.memory_space<vmem>>) dst(%dma_wait3A_589 : memref<128x2048xf32, #tpu.memory_space<any>>)
      %dma_wait3A_594 = tpu.memref_slice %arg5[%rem3A_0] : memref<2x!tpu.dma_semaphore, #tpu.memory_space<semaphore_mem>> -> memref<1x!tpu.dma_semaphore, #tpu.memory_space<semaphore_mem>>
      %dma_wait3A_595 = tpu.memref_squeeze %dma_wait3A_594 : memref<1x!tpu.dma_semaphore, #tpu.memory_space<semaphore_mem>> -> memref<!tpu.dma_semaphore, #tpu.memory_space<semaphore_mem>>
      %dma_wait3A_596 = arith.constant 0 : i32
      %dma_wait3A_597 = arith.constant 0 : i32
      %dma_wait3A_598 = tpu.memref_slice %arg2[%arg0, %dma_wait3A_596, %dma_wait3A_597] : memref<16x2048x2048xf32, #tpu.memory_space<any>> -> memref<1x128x2048xf32, #tpu.memory_space<any>>
      %dma_wait3A_599 = tpu.memref_squeeze %dma_wait3A_598 : memref<1x128x2048xf32, #tpu.memory_space<any>> -> memref<128x2048xf32, #tpu.memory_space<any>>
      %dma_wait3A_600 = arith.constant 0 : i32
      %dma_wait3A_601 = arith.constant 1920 : i32
      %dma_wait3A_602 = tpu.memref_slice %arg4[%rem3A_0, %dma_wait3A_600, %dma_wait3A_601] : memref<2x128x4096xf32, #tpu.memory_space<vmem>> -> memref<1x128x2048xf32, #tpu.memory_space<vmem>>
      %dma_wait3A_603 = tpu.memref_squeeze %dma_wait3A_602 : memref<1x128x2048xf32, #tpu.memory_space<vmem>> -> memref<128x2048xf32, #tpu.memory_space<vmem>>
      tpu.wait_dma2 semaphore(%dma_wait3A_595 : memref<!tpu.dma_semaphore, #tpu.memory_space<semaphore_mem>>) src(%dma_wait3A_603 : memref<128x2048xf32, #tpu.memory_space<vmem>>) dst(%dma_wait3A_599 : memref<128x2048xf32, #tpu.memory_space<any>>)
      %dma_wait3A_604 = tpu.memref_slice %arg5[%rem3A_0] : memref<2x!tpu.dma_semaphore, #tpu.memory_space<semaphore_mem>> -> memref<1x!tpu.dma_semaphore, #tpu.memory_space<semaphore_mem>>
      %dma_wait3A_605 = tpu.memref_squeeze %dma_wait3A_604 : memref<1x!tpu.dma_semaphore, #tpu.memory_space<semaphore_mem>> -> memref<!tpu.dma_semaphore, #tpu.memory_space<semaphore_mem>>
      %dma_wait3A_606 = arith.constant 128 : i32
      %dma_wait3A_607 = arith.constant 0 : i32
      %dma_wait3A_608 = tpu.memref_slice %arg2[%arg0, %dma_wait3A_606, %dma_wait3A_607] : memref<16x2048x2048xf32, #tpu.memory_space<any>> -> memref<1x128x2048xf32, #tpu.memory_space<any>>
      %dma_wait3A_609 = tpu.memref_squeeze %dma_wait3A_608 : memref<1x128x2048xf32, #tpu.memory_space<any>> -> memref<128x2048xf32, #tpu.memory_space<any>>
      %dma_wait3A_610 = arith.constant 0 : i32
      %dma_wait3A_611 = arith.constant 1792 : i32
      %dma_wait3A_612 = tpu.memref_slice %arg4[%rem3A_0, %dma_wait3A_610, %dma_wait3A_611] : memref<2x128x4096xf32, #tpu.memory_space<vmem>> -> memref<1x128x2048xf32, #tpu.memory_space<vmem>>
      %dma_wait3A_613 = tpu.memref_squeeze %dma_wait3A_612 : memref<1x128x2048xf32, #tpu.memory_space<vmem>> -> memref<128x2048xf32, #tpu.memory_space<vmem>>
      tpu.wait_dma2 semaphore(%dma_wait3A_605 : memref<!tpu.dma_semaphore, #tpu.memory_space<semaphore_mem>>) src(%dma_wait3A_613 : memref<128x2048xf32, #tpu.memory_space<vmem>>) dst(%dma_wait3A_609 : memref<128x2048xf32, #tpu.memory_space<any>>)
      %dma_wait3A_614 = tpu.memref_slice %arg5[%rem3A_0] : memref<2x!tpu.dma_semaphore, #tpu.memory_space<semaphore_mem>> -> memref<1x!tpu.dma_semaphore, #tpu.memory_space<semaphore_mem>>
      %dma_wait3A_615 = tpu.memref_squeeze %dma_wait3A_614 : memref<1x!tpu.dma_semaphore, #tpu.memory_space<semaphore_mem>> -> memref<!tpu.dma_semaphore, #tpu.memory_space<semaphore_mem>>
      %dma_wait3A_616 = arith.constant 256 : i32
      %dma_wait3A_617 = arith.constant 0 : i32
      %dma_wait3A_618 = tpu.memref_slice %arg2[%arg0, %dma_wait3A_616, %dma_wait3A_617] : memref<16x2048x2048xf32, #tpu.memory_space<any>> -> memref<1x128x2048xf32, #tpu.memory_space<any>>
      %dma_wait3A_619 = tpu.memref_squeeze %dma_wait3A_618 : memref<1x128x2048xf32, #tpu.memory_space<any>> -> memref<128x2048xf32, #tpu.memory_space<any>>
      %dma_wait3A_620 = arith.constant 0 : i32
      %dma_wait3A_621 = arith.constant 1664 : i32
      %dma_wait3A_622 = tpu.memref_slice %arg4[%rem3A_0, %dma_wait3A_620, %dma_wait3A_621] : memref<2x128x4096xf32, #tpu.memory_space<vmem>> -> memref<1x128x2048xf32, #tpu.memory_space<vmem>>
      %dma_wait3A_623 = tpu.memref_squeeze %dma_wait3A_622 : memref<1x128x2048xf32, #tpu.memory_space<vmem>> -> memref<128x2048xf32, #tpu.memory_space<vmem>>
      tpu.wait_dma2 semaphore(%dma_wait3A_615 : memref<!tpu.dma_semaphore, #tpu.memory_space<semaphore_mem>>) src(%dma_wait3A_623 : memref<128x2048xf32, #tpu.memory_space<vmem>>) dst(%dma_wait3A_619 : memref<128x2048xf32, #tpu.memory_space<any>>)
      %dma_wait3A_624 = tpu.memref_slice %arg5[%rem3A_0] : memref<2x!tpu.dma_semaphore, #tpu.memory_space<semaphore_mem>> -> memref<1x!tpu.dma_semaphore, #tpu.memory_space<semaphore_mem>>
      %dma_wait3A_625 = tpu.memref_squeeze %dma_wait3A_624 : memref<1x!tpu.dma_semaphore, #tpu.memory_space<semaphore_mem>> -> memref<!tpu.dma_semaphore, #tpu.memory_space<semaphore_mem>>
      %dma_wait3A_626 = arith.constant 384 : i32
      %dma_wait3A_627 = arith.constant 0 : i32
      %dma_wait3A_628 = tpu.memref_slice %arg2[%arg0, %dma_wait3A_626, %dma_wait3A_627] : memref<16x2048x2048xf32, #tpu.memory_space<any>> -> memref<1x128x2048xf32, #tpu.memory_space<any>>
      %dma_wait3A_629 = tpu.memref_squeeze %dma_wait3A_628 : memref<1x128x2048xf32, #tpu.memory_space<any>> -> memref<128x2048xf32, #tpu.memory_space<any>>
      %dma_wait3A_630 = arith.constant 0 : i32
      %dma_wait3A_631 = arith.constant 1536 : i32
      %dma_wait3A_632 = tpu.memref_slice %arg4[%rem3A_0, %dma_wait3A_630, %dma_wait3A_631] : memref<2x128x4096xf32, #tpu.memory_space<vmem>> -> memref<1x128x2048xf32, #tpu.memory_space<vmem>>
      %dma_wait3A_633 = tpu.memref_squeeze %dma_wait3A_632 : memref<1x128x2048xf32, #tpu.memory_space<vmem>> -> memref<128x2048xf32, #tpu.memory_space<vmem>>
      tpu.wait_dma2 semaphore(%dma_wait3A_625 : memref<!tpu.dma_semaphore, #tpu.memory_space<semaphore_mem>>) src(%dma_wait3A_633 : memref<128x2048xf32, #tpu.memory_space<vmem>>) dst(%dma_wait3A_629 : memref<128x2048xf32, #tpu.memory_space<any>>)
      %dma_wait3A_634 = tpu.memref_slice %arg5[%rem3A_0] : memref<2x!tpu.dma_semaphore, #tpu.memory_space<semaphore_mem>> -> memref<1x!tpu.dma_semaphore, #tpu.memory_space<semaphore_mem>>
      %dma_wait3A_635 = tpu.memref_squeeze %dma_wait3A_634 : memref<1x!tpu.dma_semaphore, #tpu.memory_space<semaphore_mem>> -> memref<!tpu.dma_semaphore, #tpu.memory_space<semaphore_mem>>
      %dma_wait3A_636 = arith.constant 512 : i32
      %dma_wait3A_637 = arith.constant 0 : i32
      %dma_wait3A_638 = tpu.memref_slice %arg2[%arg0, %dma_wait3A_636, %dma_wait3A_637] : memref<16x2048x2048xf32, #tpu.memory_space<any>> -> memref<1x128x2048xf32, #tpu.memory_space<any>>
      %dma_wait3A_639 = tpu.memref_squeeze %dma_wait3A_638 : memref<1x128x2048xf32, #tpu.memory_space<any>> -> memref<128x2048xf32, #tpu.memory_space<any>>
      %dma_wait3A_640 = arith.constant 0 : i32
      %dma_wait3A_641 = arith.constant 1408 : i32
      %dma_wait3A_642 = tpu.memref_slice %arg4[%rem3A_0, %dma_wait3A_640, %dma_wait3A_641] : memref<2x128x4096xf32, #tpu.memory_space<vmem>> -> memref<1x128x2048xf32, #tpu.memory_space<vmem>>
      %dma_wait3A_643 = tpu.memref_squeeze %dma_wait3A_642 : memref<1x128x2048xf32, #tpu.memory_space<vmem>> -> memref<128x2048xf32, #tpu.memory_space<vmem>>
      tpu.wait_dma2 semaphore(%dma_wait3A_635 : memref<!tpu.dma_semaphore, #tpu.memory_space<semaphore_mem>>) src(%dma_wait3A_643 : memref<128x2048xf32, #tpu.memory_space<vmem>>) dst(%dma_wait3A_639 : memref<128x2048xf32, #tpu.memory_space<any>>)
      %dma_wait3A_644 = tpu.memref_slice %arg5[%rem3A_0] : memref<2x!tpu.dma_semaphore, #tpu.memory_space<semaphore_mem>> -> memref<1x!tpu.dma_semaphore, #tpu.memory_space<semaphore_mem>>
      %dma_wait3A_645 = tpu.memref_squeeze %dma_wait3A_644 : memref<1x!tpu.dma_semaphore, #tpu.memory_space<semaphore_mem>> -> memref<!tpu.dma_semaphore, #tpu.memory_space<semaphore_mem>>
      %dma_wait3A_646 = arith.constant 640 : i32
      %dma_wait3A_647 = arith.constant 0 : i32
      %dma_wait3A_648 = tpu.memref_slice %arg2[%arg0, %dma_wait3A_646, %dma_wait3A_647] : memref<16x2048x2048xf32, #tpu.memory_space<any>> -> memref<1x128x2048xf32, #tpu.memory_space<any>>
      %dma_wait3A_649 = tpu.memref_squeeze %dma_wait3A_648 : memref<1x128x2048xf32, #tpu.memory_space<any>> -> memref<128x2048xf32, #tpu.memory_space<any>>
      %dma_wait3A_650 = arith.constant 0 : i32
      %dma_wait3A_651 = arith.constant 1280 : i32
      %dma_wait3A_652 = tpu.memref_slice %arg4[%rem3A_0, %dma_wait3A_650, %dma_wait3A_651] : memref<2x128x4096xf32, #tpu.memory_space<vmem>> -> memref<1x128x2048xf32, #tpu.memory_space<vmem>>
      %dma_wait3A_653 = tpu.memref_squeeze %dma_wait3A_652 : memref<1x128x2048xf32, #tpu.memory_space<vmem>> -> memref<128x2048xf32, #tpu.memory_space<vmem>>
      tpu.wait_dma2 semaphore(%dma_wait3A_645 : memref<!tpu.dma_semaphore, #tpu.memory_space<semaphore_mem>>) src(%dma_wait3A_653 : memref<128x2048xf32, #tpu.memory_space<vmem>>) dst(%dma_wait3A_649 : memref<128x2048xf32, #tpu.memory_space<any>>)
      %dma_wait3A_654 = tpu.memref_slice %arg5[%rem3A_0] : memref<2x!tpu.dma_semaphore, #tpu.memory_space<semaphore_mem>> -> memref<1x!tpu.dma_semaphore, #tpu.memory_space<semaphore_mem>>
      %dma_wait3A_655 = tpu.memref_squeeze %dma_wait3A_654 : memref<1x!tpu.dma_semaphore, #tpu.memory_space<semaphore_mem>> -> memref<!tpu.dma_semaphore, #tpu.memory_space<semaphore_mem>>
      %dma_wait3A_656 = arith.constant 768 : i32
      %dma_wait3A_657 = arith.constant 0 : i32
      %dma_wait3A_658 = tpu.memref_slice %arg2[%arg0, %dma_wait3A_656, %dma_wait3A_657] : memref<16x2048x2048xf32, #tpu.memory_space<any>> -> memref<1x128x2048xf32, #tpu.memory_space<any>>
      %dma_wait3A_659 = tpu.memref_squeeze %dma_wait3A_658 : memref<1x128x2048xf32, #tpu.memory_space<any>> -> memref<128x2048xf32, #tpu.memory_space<any>>
      %dma_wait3A_660 = arith.constant 0 : i32
      %dma_wait3A_661 = arith.constant 1152 : i32
      %dma_wait3A_662 = tpu.memref_slice %arg4[%rem3A_0, %dma_wait3A_660, %dma_wait3A_661] : memref<2x128x4096xf32, #tpu.memory_space<vmem>> -> memref<1x128x2048xf32, #tpu.memory_space<vmem>>
      %dma_wait3A_663 = tpu.memref_squeeze %dma_wait3A_662 : memref<1x128x2048xf32, #tpu.memory_space<vmem>> -> memref<128x2048xf32, #tpu.memory_space<vmem>>
      tpu.wait_dma2 semaphore(%dma_wait3A_655 : memref<!tpu.dma_semaphore, #tpu.memory_space<semaphore_mem>>) src(%dma_wait3A_663 : memref<128x2048xf32, #tpu.memory_space<vmem>>) dst(%dma_wait3A_659 : memref<128x2048xf32, #tpu.memory_space<any>>)
      %dma_wait3A_664 = tpu.memref_slice %arg5[%rem3A_0] : memref<2x!tpu.dma_semaphore, #tpu.memory_space<semaphore_mem>> -> memref<1x!tpu.dma_semaphore, #tpu.memory_space<semaphore_mem>>
      %dma_wait3A_665 = tpu.memref_squeeze %dma_wait3A_664 : memref<1x!tpu.dma_semaphore, #tpu.memory_space<semaphore_mem>> -> memref<!tpu.dma_semaphore, #tpu.memory_space<semaphore_mem>>
      %dma_wait3A_666 = arith.constant 896 : i32
      %dma_wait3A_667 = arith.constant 0 : i32
      %dma_wait3A_668 = tpu.memref_slice %arg2[%arg0, %dma_wait3A_666, %dma_wait3A_667] : memref<16x2048x2048xf32, #tpu.memory_space<any>> -> memref<1x128x2048xf32, #tpu.memory_space<any>>
      %dma_wait3A_669 = tpu.memref_squeeze %dma_wait3A_668 : memref<1x128x2048xf32, #tpu.memory_space<any>> -> memref<128x2048xf32, #tpu.memory_space<any>>
      %dma_wait3A_670 = arith.constant 0 : i32
      %dma_wait3A_671 = arith.constant 1024 : i32
      %dma_wait3A_672 = tpu.memref_slice %arg4[%rem3A_0, %dma_wait3A_670, %dma_wait3A_671] : memref<2x128x4096xf32, #tpu.memory_space<vmem>> -> memref<1x128x2048xf32, #tpu.memory_space<vmem>>
      %dma_wait3A_673 = tpu.memref_squeeze %dma_wait3A_672 : memref<1x128x2048xf32, #tpu.memory_space<vmem>> -> memref<128x2048xf32, #tpu.memory_space<vmem>>
      tpu.wait_dma2 semaphore(%dma_wait3A_665 : memref<!tpu.dma_semaphore, #tpu.memory_space<semaphore_mem>>) src(%dma_wait3A_673 : memref<128x2048xf32, #tpu.memory_space<vmem>>) dst(%dma_wait3A_669 : memref<128x2048xf32, #tpu.memory_space<any>>)
      %dma_wait3A_674 = tpu.memref_slice %arg5[%rem3A_0] : memref<2x!tpu.dma_semaphore, #tpu.memory_space<semaphore_mem>> -> memref<1x!tpu.dma_semaphore, #tpu.memory_space<semaphore_mem>>
      %dma_wait3A_675 = tpu.memref_squeeze %dma_wait3A_674 : memref<1x!tpu.dma_semaphore, #tpu.memory_space<semaphore_mem>> -> memref<!tpu.dma_semaphore, #tpu.memory_space<semaphore_mem>>
      %dma_wait3A_676 = arith.constant 1024 : i32
      %dma_wait3A_677 = arith.constant 0 : i32
      %dma_wait3A_678 = tpu.memref_slice %arg2[%arg0, %dma_wait3A_676, %dma_wait3A_677] : memref<16x2048x2048xf32, #tpu.memory_space<any>> -> memref<1x128x2048xf32, #tpu.memory_space<any>>
      %dma_wait3A_679 = tpu.memref_squeeze %dma_wait3A_678 : memref<1x128x2048xf32, #tpu.memory_space<any>> -> memref<128x2048xf32, #tpu.memory_space<any>>
      %dma_wait3A_680 = arith.constant 0 : i32
      %dma_wait3A_681 = arith.constant 896 : i32
      %dma_wait3A_682 = tpu.memref_slice %arg4[%rem3A_0, %dma_wait3A_680, %dma_wait3A_681] : memref<2x128x4096xf32, #tpu.memory_space<vmem>> -> memref<1x128x2048xf32, #tpu.memory_space<vmem>>
      %dma_wait3A_683 = tpu.memref_squeeze %dma_wait3A_682 : memref<1x128x2048xf32, #tpu.memory_space<vmem>> -> memref<128x2048xf32, #tpu.memory_space<vmem>>
      tpu.wait_dma2 semaphore(%dma_wait3A_675 : memref<!tpu.dma_semaphore, #tpu.memory_space<semaphore_mem>>) src(%dma_wait3A_683 : memref<128x2048xf32, #tpu.memory_space<vmem>>) dst(%dma_wait3A_679 : memref<128x2048xf32, #tpu.memory_space<any>>)
      %dma_wait3A_684 = tpu.memref_slice %arg5[%rem3A_0] : memref<2x!tpu.dma_semaphore, #tpu.memory_space<semaphore_mem>> -> memref<1x!tpu.dma_semaphore, #tpu.memory_space<semaphore_mem>>
      %dma_wait3A_685 = tpu.memref_squeeze %dma_wait3A_684 : memref<1x!tpu.dma_semaphore, #tpu.memory_space<semaphore_mem>> -> memref<!tpu.dma_semaphore, #tpu.memory_space<semaphore_mem>>
      %dma_wait3A_686 = arith.constant 1152 : i32
      %dma_wait3A_687 = arith.constant 0 : i32
      %dma_wait3A_688 = tpu.memref_slice %arg2[%arg0, %dma_wait3A_686, %dma_wait3A_687] : memref<16x2048x2048xf32, #tpu.memory_space<any>> -> memref<1x128x2048xf32, #tpu.memory_space<any>>
      %dma_wait3A_689 = tpu.memref_squeeze %dma_wait3A_688 : memref<1x128x2048xf32, #tpu.memory_space<any>> -> memref<128x2048xf32, #tpu.memory_space<any>>
      %dma_wait3A_690 = arith.constant 0 : i32
      %dma_wait3A_691 = arith.constant 768 : i32
      %dma_wait3A_692 = tpu.memref_slice %arg4[%rem3A_0, %dma_wait3A_690, %dma_wait3A_691] : memref<2x128x4096xf32, #tpu.memory_space<vmem>> -> memref<1x128x2048xf32, #tpu.memory_space<vmem>>
      %dma_wait3A_693 = tpu.memref_squeeze %dma_wait3A_692 : memref<1x128x2048xf32, #tpu.memory_space<vmem>> -> memref<128x2048xf32, #tpu.memory_space<vmem>>
      tpu.wait_dma2 semaphore(%dma_wait3A_685 : memref<!tpu.dma_semaphore, #tpu.memory_space<semaphore_mem>>) src(%dma_wait3A_693 : memref<128x2048xf32, #tpu.memory_space<vmem>>) dst(%dma_wait3A_689 : memref<128x2048xf32, #tpu.memory_space<any>>)
      %dma_wait3A_694 = tpu.memref_slice %arg5[%rem3A_0] : memref<2x!tpu.dma_semaphore, #tpu.memory_space<semaphore_mem>> -> memref<1x!tpu.dma_semaphore, #tpu.memory_space<semaphore_mem>>
      %dma_wait3A_695 = tpu.memref_squeeze %dma_wait3A_694 : memref<1x!tpu.dma_semaphore, #tpu.memory_space<semaphore_mem>> -> memref<!tpu.dma_semaphore, #tpu.memory_space<semaphore_mem>>
      %dma_wait3A_696 = arith.constant 1280 : i32
      %dma_wait3A_697 = arith.constant 0 : i32
      %dma_wait3A_698 = tpu.memref_slice %arg2[%arg0, %dma_wait3A_696, %dma_wait3A_697] : memref<16x2048x2048xf32, #tpu.memory_space<any>> -> memref<1x128x2048xf32, #tpu.memory_space<any>>
      %dma_wait3A_699 = tpu.memref_squeeze %dma_wait3A_698 : memref<1x128x2048xf32, #tpu.memory_space<any>> -> memref<128x2048xf32, #tpu.memory_space<any>>
      %dma_wait3A_700 = arith.constant 0 : i32
      %dma_wait3A_701 = arith.constant 640 : i32
      %dma_wait3A_702 = tpu.memref_slice %arg4[%rem3A_0, %dma_wait3A_700, %dma_wait3A_701] : memref<2x128x4096xf32, #tpu.memory_space<vmem>> -> memref<1x128x2048xf32, #tpu.memory_space<vmem>>
      %dma_wait3A_703 = tpu.memref_squeeze %dma_wait3A_702 : memref<1x128x2048xf32, #tpu.memory_space<vmem>> -> memref<128x2048xf32, #tpu.memory_space<vmem>>
      tpu.wait_dma2 semaphore(%dma_wait3A_695 : memref<!tpu.dma_semaphore, #tpu.memory_space<semaphore_mem>>) src(%dma_wait3A_703 : memref<128x2048xf32, #tpu.memory_space<vmem>>) dst(%dma_wait3A_699 : memref<128x2048xf32, #tpu.memory_space<any>>)
      %dma_wait3A_704 = tpu.memref_slice %arg5[%rem3A_0] : memref<2x!tpu.dma_semaphore, #tpu.memory_space<semaphore_mem>> -> memref<1x!tpu.dma_semaphore, #tpu.memory_space<semaphore_mem>>
      %dma_wait3A_705 = tpu.memref_squeeze %dma_wait3A_704 : memref<1x!tpu.dma_semaphore, #tpu.memory_space<semaphore_mem>> -> memref<!tpu.dma_semaphore, #tpu.memory_space<semaphore_mem>>
      %dma_wait3A_706 = arith.constant 1408 : i32
      %dma_wait3A_707 = arith.constant 0 : i32
      %dma_wait3A_708 = tpu.memref_slice %arg2[%arg0, %dma_wait3A_706, %dma_wait3A_707] : memref<16x2048x2048xf32, #tpu.memory_space<any>> -> memref<1x128x2048xf32, #tpu.memory_space<any>>
      %dma_wait3A_709 = tpu.memref_squeeze %dma_wait3A_708 : memref<1x128x2048xf32, #tpu.memory_space<any>> -> memref<128x2048xf32, #tpu.memory_space<any>>
      %dma_wait3A_710 = arith.constant 0 : i32
      %dma_wait3A_711 = arith.constant 512 : i32
      %dma_wait3A_712 = tpu.memref_slice %arg4[%rem3A_0, %dma_wait3A_710, %dma_wait3A_711] : memref<2x128x4096xf32, #tpu.memory_space<vmem>> -> memref<1x128x2048xf32, #tpu.memory_space<vmem>>
      %dma_wait3A_713 = tpu.memref_squeeze %dma_wait3A_712 : memref<1x128x2048xf32, #tpu.memory_space<vmem>> -> memref<128x2048xf32, #tpu.memory_space<vmem>>
      tpu.wait_dma2 semaphore(%dma_wait3A_705 : memref<!tpu.dma_semaphore, #tpu.memory_space<semaphore_mem>>) src(%dma_wait3A_713 : memref<128x2048xf32, #tpu.memory_space<vmem>>) dst(%dma_wait3A_709 : memref<128x2048xf32, #tpu.memory_space<any>>)
      %dma_wait3A_714 = tpu.memref_slice %arg5[%rem3A_0] : memref<2x!tpu.dma_semaphore, #tpu.memory_space<semaphore_mem>> -> memref<1x!tpu.dma_semaphore, #tpu.memory_space<semaphore_mem>>
      %dma_wait3A_715 = tpu.memref_squeeze %dma_wait3A_714 : memref<1x!tpu.dma_semaphore, #tpu.memory_space<semaphore_mem>> -> memref<!tpu.dma_semaphore, #tpu.memory_space<semaphore_mem>>
      %dma_wait3A_716 = arith.constant 1536 : i32
      %dma_wait3A_717 = arith.constant 0 : i32
      %dma_wait3A_718 = tpu.memref_slice %arg2[%arg0, %dma_wait3A_716, %dma_wait3A_717] : memref<16x2048x2048xf32, #tpu.memory_space<any>> -> memref<1x128x2048xf32, #tpu.memory_space<any>>
      %dma_wait3A_719 = tpu.memref_squeeze %dma_wait3A_718 : memref<1x128x2048xf32, #tpu.memory_space<any>> -> memref<128x2048xf32, #tpu.memory_space<any>>
      %dma_wait3A_720 = arith.constant 0 : i32
      %dma_wait3A_721 = arith.constant 384 : i32
      %dma_wait3A_722 = tpu.memref_slice %arg4[%rem3A_0, %dma_wait3A_720, %dma_wait3A_721] : memref<2x128x4096xf32, #tpu.memory_space<vmem>> -> memref<1x128x2048xf32, #tpu.memory_space<vmem>>
      %dma_wait3A_723 = tpu.memref_squeeze %dma_wait3A_722 : memref<1x128x2048xf32, #tpu.memory_space<vmem>> -> memref<128x2048xf32, #tpu.memory_space<vmem>>
      tpu.wait_dma2 semaphore(%dma_wait3A_715 : memref<!tpu.dma_semaphore, #tpu.memory_space<semaphore_mem>>) src(%dma_wait3A_723 : memref<128x2048xf32, #tpu.memory_space<vmem>>) dst(%dma_wait3A_719 : memref<128x2048xf32, #tpu.memory_space<any>>)
      %dma_wait3A_724 = tpu.memref_slice %arg5[%rem3A_0] : memref<2x!tpu.dma_semaphore, #tpu.memory_space<semaphore_mem>> -> memref<1x!tpu.dma_semaphore, #tpu.memory_space<semaphore_mem>>
      %dma_wait3A_725 = tpu.memref_squeeze %dma_wait3A_724 : memref<1x!tpu.dma_semaphore, #tpu.memory_space<semaphore_mem>> -> memref<!tpu.dma_semaphore, #tpu.memory_space<semaphore_mem>>
      %dma_wait3A_726 = arith.constant 1664 : i32
      %dma_wait3A_727 = arith.constant 0 : i32
      %dma_wait3A_728 = tpu.memref_slice %arg2[%arg0, %dma_wait3A_726, %dma_wait3A_727] : memref<16x2048x2048xf32, #tpu.memory_space<any>> -> memref<1x128x2048xf32, #tpu.memory_space<any>>
      %dma_wait3A_729 = tpu.memref_squeeze %dma_wait3A_728 : memref<1x128x2048xf32, #tpu.memory_space<any>> -> memref<128x2048xf32, #tpu.memory_space<any>>
      %dma_wait3A_730 = arith.constant 0 : i32
      %dma_wait3A_731 = arith.constant 256 : i32
      %dma_wait3A_732 = tpu.memref_slice %arg4[%rem3A_0, %dma_wait3A_730, %dma_wait3A_731] : memref<2x128x4096xf32, #tpu.memory_space<vmem>> -> memref<1x128x2048xf32, #tpu.memory_space<vmem>>
      %dma_wait3A_733 = tpu.memref_squeeze %dma_wait3A_732 : memref<1x128x2048xf32, #tpu.memory_space<vmem>> -> memref<128x2048xf32, #tpu.memory_space<vmem>>
      tpu.wait_dma2 semaphore(%dma_wait3A_725 : memref<!tpu.dma_semaphore, #tpu.memory_space<semaphore_mem>>) src(%dma_wait3A_733 : memref<128x2048xf32, #tpu.memory_space<vmem>>) dst(%dma_wait3A_729 : memref<128x2048xf32, #tpu.memory_space<any>>)
      %dma_wait3A_734 = tpu.memref_slice %arg5[%rem3A_0] : memref<2x!tpu.dma_semaphore, #tpu.memory_space<semaphore_mem>> -> memref<1x!tpu.dma_semaphore, #tpu.memory_space<semaphore_mem>>
      %dma_wait3A_735 = tpu.memref_squeeze %dma_wait3A_734 : memref<1x!tpu.dma_semaphore, #tpu.memory_space<semaphore_mem>> -> memref<!tpu.dma_semaphore, #tpu.memory_space<semaphore_mem>>
      %dma_wait3A_736 = arith.constant 1792 : i32
      %dma_wait3A_737 = arith.constant 0 : i32
      %dma_wait3A_738 = tpu.memref_slice %arg2[%arg0, %dma_wait3A_736, %dma_wait3A_737] : memref<16x2048x2048xf32, #tpu.memory_space<any>> -> memref<1x128x2048xf32, #tpu.memory_space<any>>
      %dma_wait3A_739 = tpu.memref_squeeze %dma_wait3A_738 : memref<1x128x2048xf32, #tpu.memory_space<any>> -> memref<128x2048xf32, #tpu.memory_space<any>>
      %dma_wait3A_740 = arith.constant 0 : i32
      %dma_wait3A_741 = arith.constant 128 : i32
      %dma_wait3A_742 = tpu.memref_slice %arg4[%rem3A_0, %dma_wait3A_740, %dma_wait3A_741] : memref<2x128x4096xf32, #tpu.memory_space<vmem>> -> memref<1x128x2048xf32, #tpu.memory_space<vmem>>
      %dma_wait3A_743 = tpu.memref_squeeze %dma_wait3A_742 : memref<1x128x2048xf32, #tpu.memory_space<vmem>> -> memref<128x2048xf32, #tpu.memory_space<vmem>>
      tpu.wait_dma2 semaphore(%dma_wait3A_735 : memref<!tpu.dma_semaphore, #tpu.memory_space<semaphore_mem>>) src(%dma_wait3A_743 : memref<128x2048xf32, #tpu.memory_space<vmem>>) dst(%dma_wait3A_739 : memref<128x2048xf32, #tpu.memory_space<any>>)
      %dma_wait3A_744 = tpu.memref_slice %arg5[%rem3A_0] : memref<2x!tpu.dma_semaphore, #tpu.memory_space<semaphore_mem>> -> memref<1x!tpu.dma_semaphore, #tpu.memory_space<semaphore_mem>>
      %dma_wait3A_745 = tpu.memref_squeeze %dma_wait3A_744 : memref<1x!tpu.dma_semaphore, #tpu.memory_space<semaphore_mem>> -> memref<!tpu.dma_semaphore, #tpu.memory_space<semaphore_mem>>
      %dma_wait3A_746 = arith.constant 1920 : i32
      %dma_wait3A_747 = arith.constant 0 : i32
      %dma_wait3A_748 = tpu.memref_slice %arg2[%arg0, %dma_wait3A_746, %dma_wait3A_747] : memref<16x2048x2048xf32, #tpu.memory_space<any>> -> memref<1x128x2048xf32, #tpu.memory_space<any>>
      %dma_wait3A_749 = tpu.memref_squeeze %dma_wait3A_748 : memref<1x128x2048xf32, #tpu.memory_space<any>> -> memref<128x2048xf32, #tpu.memory_space<any>>
      %dma_wait3A_750 = arith.constant 0 : i32
      %dma_wait3A_751 = arith.constant 0 : i32
      %dma_wait3A_752 = tpu.memref_slice %arg4[%rem3A_0, %dma_wait3A_750, %dma_wait3A_751] : memref<2x128x4096xf32, #tpu.memory_space<vmem>> -> memref<1x128x2048xf32, #tpu.memory_space<vmem>>
      %dma_wait3A_753 = tpu.memref_squeeze %dma_wait3A_752 : memref<1x128x2048xf32, #tpu.memory_space<vmem>> -> memref<128x2048xf32, #tpu.memory_space<vmem>>
      tpu.wait_dma2 semaphore(%dma_wait3A_745 : memref<!tpu.dma_semaphore, #tpu.memory_space<semaphore_mem>>) src(%dma_wait3A_753 : memref<128x2048xf32, #tpu.memory_space<vmem>>) dst(%dma_wait3A_749 : memref<128x2048xf32, #tpu.memory_space<any>>)
    } else {
    }
    return
  }
  func.func @transform_0(%arg0: i32) -> (i32, i32, i32) {
    %c0_i32 = arith.constant 0 : i32
    %c0_i32_0 = arith.constant 0 : i32
    %c0_i32_1 = arith.constant 0 : i32
    return %arg0, %c0_i32, %c0_i32_0 : i32, i32, i32
  }
}

</mosaic_0001>

<sc_bundles>
// kernel: kernel.4.cloned.1.call-start
scs
__scs_entry_jumppad:
0x0: {  	(pc) =	sbr.rel $0x88, $3  }
0x1: {  	(tag) =	ssettag $0x0;
	lr =	simm.s32 $0x1  }
0x2: {  	[smem:$0x3FA0] =	sst lr;
	_ =	strace $0xD0000000  }
0x3: {  	_ = 	snop  }
0x4: {  	_ = 	snop  }
0x5: {  	_ = 	snop  }
0x6: {  	_ = 	snop  }
0x7: {  	_ = 	snop  }
__scs_overlays_trampoline_lowered:
0x8: {  	[smem:$0x3FAF] =	sst s0  }
0x9: {  	[smem:$0x3FB0] =	sst s1  }
0xa: {  	[smem:$0x3FB1] =	sst s2  }
0xb: {  	[smem:$0x3FB2] =	sst s3  }
0xc: {  	[smem:$0x3FB3] =	sst s4  }
0xd: {  	[smem:$0x3FB4] =	sst s5  }
0xe: {  	[smem:$0x3FB5] =	sst s6  }
0xf: {  	[smem:$0x3FB6] =	sst s7  }
0x10: {  	[smem:$0x3FB7] =	sst s8  }
0x11: {  	[smem:$0x3FB8] =	sst s9;
	s0 =	simm.s32 @!p0 $0x0  }
0x12: {  	s1 =	sld [smem:$0x3F9E];
	s0 =	simm.s32 @p0 $0x1  }
0x13: {  	[smem:$0x3FB9] =	sst s0;
	s0 =	simm.s32 @!p1 $0x0  }
0x14: {  	s2 =	sld [smem:$0x3F9D];
	s0 =	simm.s32 @p1 $0x1  }
0x15: {  	[smem:$0x3FBA] =	sst s0;
	s0 =	simm.s32 @!p2 $0x0  }
0x16: {  	s3 =	sld [smem:$0x3FDB];
	s0 =	simm.s32 @p2 $0x1  }
0x17: {  	s4 =	simm.s32 $0x1BF5;
	[smem:$0x3FBC] =	sst s0  }
0x18: {  	s0 =	sld [smem:$0x3F9F];
	_ =	swait.ge [sflag:s4], $0x0  }
0x19: {  	s7 =	sld [smem:$0x3FA0]  }
0x1a: {  	s8 =	sadd.s32 $0xFFFFE003, lr  }
0x1b: {  	s9 =	sadd.s32 $0xFFFFFEF7, lr;
	s5 =	simm.s32 $0xFFFFFFFF;
	p2 =	slt.u32 s8, $0xFFFFF086  }
0x1c: {  	p1 =	slt.u32 s9, $0xF7A;
	s5 =	simm.s32 @!p2 $0x0  }
0x1d: {  	s5 =	simm.s32 @p1 $0x1;
	p0 =	seq.s32 s7, s2  }
0x1e: {  	s7 =	smul.u32 @!p0 $0xF7A, s2;
	p2 =	seq.s32 @!p0 s5, $0x0  }
0x1f: {  	s9 =	smul.u32 $0xF7A, s1;
	s8 =	simm.s32 @!p0 $0x1BF5;
	p2 =	por !p2, p0  }
0x20: {  	[sflag:s8] =	ssyncset.s32 @!p0 $0xFFFFF086;
	s6 =	sadd.s32 @!p0 s3, s7;
	s7 =	simm.s32 @!p0 $0x108  }
0x21: {  	s3 =	sadd.s32 s3, s9;
	s6 =	sadd.s32 @!p0 $0x88, s6;
	s7 =	simm.s32 @p2 $0x1082  }
0x22: {  	[simem:s7], [sflag:s8] =	dma.local @!p0 [hbm:s6], $0xF7A  }
0x23: {  	s9 =	sor.u32 $0xD0000000, s2;
	s6 =	simm.s32 $0x108;
	_ =	swait.ge @!p0 [sflag:s8], $0x0  }
0x24: {  	s3 =	sadd.s32 $0x88, s3;
	s6 =	simm.s32 @!p1 $0x1082;
	[sflag:s4] =	ssyncset.s32 $0xFFFFF086  }
0x25: {  	[simem:s6], [sflag:s4] =	dma.local [hbm:s3], $0xF7A  }
0x26: {  	[smem:$0x3FA0] =	sst s1;
	(tag) =	ssettag s2;
	_ =	strace s9  }
0x27: {  	s1 =	sld [smem:$0x3FB0]  }
0x28: {  	s2 =	sld [smem:$0x3FB1]  }
0x29: {  	s4 =	sld [smem:$0x3FB3]  }
0x2a: {  	p0 =	seq.s32 s5, $0x0;
	s5 =	sld [smem:$0x3FB4]  }
0x2b: {  	s6 =	sld [smem:$0x3FB5]  }
0x2c: {  	s7 =	sld [smem:$0x3FB6]  }
0x2d: {  	s3 =	simm.s32 $0x108;
	s8 =	sld [smem:$0x3FB7]  }
0x2e: {  	s3 =	simm.s32 @!p0 $0x1082;
	s9 =	sld [smem:$0x3FB8]  }
0x2f: {  	lr =	sadd.s32 s0, s3;
	s0 =	sld [smem:$0x3FAF]  }
0x30: {  	s3 =	sld [smem:$0x3FB2]  }
0x31: {  	[smem:$0x3FBB] =	sst s10  }
0x32: {  	s10 =	sld [smem:$0x3FB9];
	_ =	sdelay $0x3  }
0x33: {  	p0 =	seq.s32 s10, $0x1;
	s10 =	sld [smem:$0x3FBB];
	_ =	sdelay $0x3  }
0x34: {  	[smem:$0x3FBB] =	sst s10  }
0x35: {  	s10 =	sld [smem:$0x3FBA];
	_ =	sdelay $0x3  }
0x36: {  	p1 =	seq.s32 s10, $0x1;
	s10 =	sld [smem:$0x3FBB];
	_ =	sdelay $0x3  }
0x37: {  	[smem:$0x3FBB] =	sst s10  }
0x38: {  	s10 =	sld [smem:$0x3FBC]  }
0x39: {  	_ = 	snop;
	(pc) =	sbr.ind lr, $3  }
0x3a: {  	_ = 	snop  }
0x3b: {  	_ = 	snop  }
0x3c: {  	p2 =	seq.s32 s10, $0x1;
	s10 =	sld [smem:$0x3FBB]  }
0x3d: {  	_ =	shalt  }
0x3e: {  	_ =	shalt  }
0x3f: {  	_ =	shalt  }
0x40: {  	_ =	shalt  }
0x41: {  	_ =	shalt  }
0x42: {  	_ =	shalt  }
0x43: {  	_ =	shalt  }
0x44: {  	_ =	shalt  }
0x45: {  	_ =	shalt  }
0x46: {  	_ =	shalt  }
0x47: {  	_ =	shalt  }
0x48: {  	_ =	shalt  }
0x49: {  	_ =	shalt  }
0x4a: {  	_ =	shalt  }
0x4b: {  	_ =	shalt  }
0x4c: {  	_ =	shalt  }
0x4d: {  	_ =	shalt  }
0x4e: {  	_ =	shalt  }
0x4f: {  	_ =	shalt  }
0x50: {  	_ =	shalt  }
0x51: {  	_ =	shalt  }
0x52: {  	_ =	shalt  }
0x53: {  	_ =	shalt  }
0x54: {  	_ =	shalt  }
0x55: {  	_ =	shalt  }
0x56: {  	_ =	shalt  }
0x57: {  	_ =	shalt  }
0x58: {  	_ =	shalt  }
0x59: {  	_ =	shalt  }
0x5a: {  	_ =	shalt  }
0x5b: {  	_ =	shalt  }
0x5c: {  	_ =	shalt  }
0x5d: {  	_ =	shalt  }
0x5e: {  	_ =	shalt  }
0x5f: {  	_ =	shalt  }
0x60: {  	_ =	shalt  }
0x61: {  	_ =	shalt  }
0x62: {  	_ =	shalt  }
0x63: {  	_ =	shalt  }
0x64: {  	_ =	shalt  }
0x65: {  	_ =	shalt  }
0x66: {  	_ =	shalt  }
0x67: {  	_ =	shalt  }
0x68: {  	_ =	shalt  }
0x69: {  	_ =	shalt  }
0x6a: {  	_ =	shalt  }
0x6b: {  	_ =	shalt  }
0x6c: {  	_ =	shalt  }
0x6d: {  	_ =	shalt  }
0x6e: {  	_ =	shalt  }
0x6f: {  	_ =	shalt  }
0x70: {  	_ =	shalt  }
0x71: {  	_ =	shalt  }
0x72: {  	_ =	shalt  }
0x73: {  	_ =	shalt  }
0x74: {  	_ =	shalt  }
0x75: {  	_ =	shalt  }
0x76: {  	_ =	shalt  }
0x77: {  	_ =	shalt  }
0x78: {  	_ =	shalt  }
0x79: {  	_ =	shalt  }
0x7a: {  	_ =	shalt  }
0x7b: {  	_ =	shalt  }
0x7c: {  	_ =	shalt  }
0x7d: {  	_ =	shalt  }
0x7e: {  	_ =	shalt  }
0x7f: {  	_ =	shalt  }
0x80: {  	_ =	shalt  }
0x81: {  	_ =	shalt  }
0x82: {  	_ =	shalt  }
0x83: {  	_ =	shalt  }
0x84: {  	_ =	shalt  }
0x85: {  	_ =	shalt  }
0x86: {  	_ =	shalt  }
0x87: {  	_ =	shalt  }
.Lfunc_end0:
.L_simem_size_0:
called_computation_lowered:
.L_overlay_start_0:
0x88: {  	s2 =	sld [smem:$0x3FD9]  }
0x89: {  	s3 =	sld [smem:$0x3FFE];
	_ =	sdelay $0x1  }
0x8a: {  	s1 =	srdreg.scid  }
0x8b: {  	s0 =	sand.u32 $0x1, s1  }
0x8c: {  	s17 =	sshll.u32 s0, $0xA;
	s2 =	sadd.s32 s3, s2  }
0x8d: {  	s2 =	sadd.s32 s2, s17  }
0x8e: {  	[smem:$0x3FC7] =	sst s2  }
0x8f: {  	_ = 	snop  }
0x90: {  	s2 =	sld [smem:$0x3FD0];
	(tm) =	ssettm $0x1  }
0x91: {  	s18 =	sld [smem:$0x3FFB];
	_ =	sdelay $0x3  }
0x92: {  	_ =	strace s18  }
0x93: {  	s3 =	sld [smem:$0x3FFC];
	_ =	sdelay $0x3  }
0x94: {  	_ =	strace s3  }
0x95: {  	s3 =	sld [smem:$0x3FFD];
	_ =	sdelay $0x3  }
0x96: {  	_ =	strace s3  }
0x97: {  	_ =	strace $0x8FFFFFFF  }
0x98: {  	s19 =	sld [smem:$0x3FDB];
	_ =	sdelay $0x1  }
0x99: {  	s4 =	simm.s32 $_scs_section_size  }
0x9a: {  	s5 =	simm.s32 $_size__tile_overlayer_lowered;
	s6 =	simm.s32 $_tile_overlayer_lowered  }
0x9b: {  	s22 =	simm.s32 $0x1BFF;
	s21 =	sshll.u32 s6, $0x1;
	s3 =	sadd.s32 s4, s19  }
0x9c: {  	s7 =	simm.s32 $0x0;
	s20 =	sshll.u32 s5, $0x1;
	s5 =	sadd.s32 s21, s3  }
0x9d: {  	[timem:s7], [sflag:s22] =	dma.local [hbm:s5], s20  }
0x9e: {  	_ =	swait.ge [sflag:s22], s20  }
0x9f: {  	s4 =	ssub.s32 $0x0, s20;
	[sflag:s22] =	ssyncset.done $0x0  }
0xa0: {  	[sflag:s22] =	ssyncadd.s32 s4;
	_ =	sdelay $0x1  }
0xa1: {  	s23 =	simm.s32 $0x1B8B  }
0xa2: {  	_ =	swait.ge [sflag:s23], $0x1  }
0xa3: {  	[sflag:s23] =	ssyncset.done $0x0  }
0xa4: {  	s25 =	simm.s32 $0x1B8E;
	s24 =	sld [smem:$0x3FFE];
	[sflag:s23] =	ssyncadd.s32 $0xFFFFFFFF  }
0xa5: {  	s26 =	simm.s32 $execute0_lowered;
	[smem:$0x3FD2] =	sst s25  }
0xa6: {  	s5 =	sshll.u32 s26, $0x1;
	_ =	strace $0x80000046;
	[dreg:$0x1] =	wrdreg $0xFFFFFFFF  }
0xa7: {  	s28 =	simm.s32 $_size_execute0_lowered;
	s3 =	sadd.s32 s3, s5;
	[dreg:$0x0] =	wrdreg $0x0  }
0xa8: {  	s5 =	sshll.u32 s28, $0x1;
	[dreg:$0x2] =	wrdreg s3  }
0xa9: {  	[dreg:$0x3] =	wrdreg s5  }
0xaa: {  	[dreg:$0x4] =	wrdreg $0xC0  }
0xab: {  	_ =	task [dreg:s7], $0x5FFFF  }
0xac: {  	[dreg:$0x1] =	wrdreg $0xFFFFFFFF  }
0xad: {  	[dreg:$0x0] =	wrdreg $0x60  }
0xae: {  	[dreg:$0x2] =	wrdreg s24  }
0xaf: {  	[dreg:$0x3] =	wrdreg s2  }
0xb0: {  	[dreg:$0x4] =	wrdreg $0x9  }
0xb1: {  	_ =	task.clear_ibuf [dreg:s7], $0x5FFFF;
	_ =	strace $0x90000046  }
0xb2: {  	s29 =	simm.s32 $0x9;
	_ =	strace $0x80000048  }
0xb3: {  	_ =	swait.ge [sflag:s29], $0x1  }
0xb4: {  	[sflag:s29] =	ssyncadd.s32 $0xFFFFFFFF  }
0xb5: {  	_ =	strace $0x90000048  }
0xb6: {  	_ =	sfence  }
0xb7: {  	s30 =	sld [smem:$0x0];
	_ =	sdelay $0x2  }
0xb8: {  	s31 =	sshll.u32 s1, $0xD;
	s1 =	sshrl.u32 s1, $0x2  }
0xb9: {  	s3 =	sand.u32 $0x4000, s31;
	s1 =	sadd.s32 s1, s30  }
0xba: {  	s0 =	sor.u32 s3, s0;
	s1 =	sshll.u32 s1, $0x11  }
0xbb: {  	s0 =	sor.u32 s1, s0  }
0xbc: {  	s0 =	sadd.s32 $0x8F2B, s0  }
0xbd: {  	[sflag:s0] =	ssyncadd.remote.s32 $0x1  }
0xbe: {  	_ =	sfence.sel $0xFFFF  }
0xbf: {  	[dreg:$0x0] =	wrdreg $0xFFFFFFFF;
	(pc) =	sbr.abs _section_cstart, $3  }
0xc0: {  	[dreg:$0x1] =	wrdreg $0xFFFFFFFF  }
0xc1: {  	_ =	task.clear_ibuf [dreg:s7], $0x2FFFF;
	_ =	strace $0x9FFFFFFF  }
0xc2: {  	(tm) =	ssettm $0x7FFFFFFF  }
0xc3: {  	_ =	shalt  }
tec
execute0_lowered:
.L_overlay_start_1:
0x0: {  	(tag) =	ssettag $0x1  }
0x1: {  	s1 =	srdreg.scid;
	s0 =	stileid.u32  }
0x2: {  	s1 =	sand.u32 $0x1, s1;
	s2 =	sshll.u32 s0, $0x1  }
0x3: {  	v0 =	vlaneseq.u32;
	s2 =	sor.u32 s1, s2  }
0x4: {  	v0 =	vmul.u32 $0xFFFFFFFF, v0;
	s4 =	smul.u32 $0xA0, s2;
	_ =	sdelay $0x1  }
0x5: {  	v5 =	vadd.s32 $0x8FF, v0;
	v1 =	vmov s4;
	s3 =	sor.u32 $0x10, s4;
	s24 =	sadd.s32 $0x20, s4;
	s28 =	sadd.s32 $0x50, s4  }
0x6: {  	v6 =	vimm.s32 $0x0;
	s25 =	sadd.s32 $0x30, s4;
	s5 =	sadd.s32 $0x60, s4;
	s30 =	sadd.s32 $0x80, s4;
	v0 =	vsub.s32 v5, v1;
	v45 =	vmov s28  }
0x7: {  	s26 =	sadd.s32 $0x40, s4;
	s29 =	sadd.s32 $0x70, s4;
	s4 =	sadd.s32 $0x90, s4;
	v48 =	vmov s5;
	v19 =	vmov s30;
	v1 =	vsub.s32 $0x0, v0  }
0x8: {  	v20 =	vmov s4;
	v19 =	vsub.s32 v5, v19;
	v1 =	vmin.u32 v0, v1  }
0x9: {  	v20 =	vsub.s32 v5, v20;
	v0 =	vshrl.u32 v0, $0x1B;
	v2 =	vcvt.s32.f32 v1  }
0xa: {  	v21 =	vsub.s32 $0x0, v19;
	v55 =	vsub.s32 $0x0, v20;
	v62 =	vshrl.u32 v19, $0x1B  }
0xb: {  	vm12 =	vlt.u32 v1, $0x8;
	v54 =	vmin.u32 v19, v21;
	v3 =	vand.u32 $0x7FFFFC, v2  }
0xc: {  	v22 =	vcvt.s32.f32 v54;
	v2 =	vshrl.u32 v2, $0x16;
	vm0 =	vgt.u32 v3, $0x3504F3  }
0xd: {  	v0 =	vand.u32 $0x10, v0;
	v2 =	vand.u32 $0x1FE, v2;
	v3 =	vsel vm0, $0x1, v6  }
0xe: {  	v58 =	vshrl.u32 v22, $0x16;
	v2 =	vor.u32 v3, v2;
	v3 =	vmov s3  }
0xf: {  	v2 =	vadd.s32 $0xFFFFFF04, v2;
	v4 =	vsub.s32 v5, v3;
	v3 =	vmov s24  }
0x10: {  	vm11 =	vlt.s32 v2, $0xF;
	v7 =	vsub.s32 $0x0, v4;
	v8 =	vsub.s32 v5, v3  }
0x11: {  	v63 =	vshrl.u32 v4, $0x1B;
	v3 =	vmin.u32 v4, v7;
	v7 =	vsub.s32 $0x0, v8  }
0x12: {  	v2 =	vnsel vm11, $0xF, v2;
	v9 =	vcvt.s32.f32 v3;
	v10 =	vmin.u32 v8, v7  }
0x13: {  	v1 =	vsel vm12, v1, v2;
	v8 =	vshrl.u32 v8, $0x1B;
	v2 =	vcvt.s32.f32 v10  }
0x14: {  	v0 =	vadd.s32 v0, v1;
	vm4 =	vlt.u32 v10, $0x8;
	v8 =	vand.u32 $0x10, v8  }
0x15: {  	v1 =	vshrl.u32 v9, $0x16;
	v7 =	vand.u32 $0x7FFFFC, v9;
	v9 =	vand.u32 $0x7FFFFC, v2  }
0x16: {  	v1 =	vand.u32 $0x1FE, v1;
	v2 =	vshrl.u32 v2, $0x16;
	vm13 =	vgt.u32 v9, $0x3504F3  }
0x17: {  	v9 =	vmov s25;
	v2 =	vand.u32 $0x1FE, v2;
	v11 =	vsel vm13, $0x1, v6  }
0x18: {  	vm14 =	vgt.u32 v7, $0x3504F3;
	v9 =	vsub.s32 v5, v9;
	v2 =	vor.u32 v11, v2  }
0x19: {  	v7 =	vsub.s32 $0x0, v9;
	v11 =	vsel vm14, $0x1, v6;
	v2 =	vadd.s32 $0xFFFFFF04, v2  }
0x1a: {  	v12 =	vmin.u32 v9, v7;
	v7 =	vor.u32 v11, v1;
	v9 =	vshrl.u32 v9, $0x1B  }
0x1b: {  	vm15 =	vlt.s32 v2, $0xF;
	v1 =	vcvt.s32.f32 v12;
	v9 =	vand.u32 $0x10, v9  }
0x1c: {  	vm7 =	vlt.u32 v12, $0x8;
	v61 =	vadd.s32 $0xFFFFFF04, v7;
	v2 =	vnsel vm15, $0xF, v2  }
0x1d: {  	v2 =	vsel vm4, v10, v2;
	v10 =	vand.u32 $0x7FFFFC, v1;
	v1 =	vshrl.u32 v1, $0x16  }
0x1e: {  	vm5 =	vgt.u32 v10, $0x3504F3;
	v10 =	vmov s26;
	v11 =	vand.u32 $0x1FE, v1  }
0x1f: {  	v1 =	vadd.s32 v8, v2;
	v13 =	vsel vm5, $0x1, v6;
	v10 =	vsub.s32 v5, v10  }
0x20: {  	v2 =	vor.u32 v13, v11;
	v8 =	vsub.s32 $0x0, v10;
	v13 =	vsub.s32 v5, v45  }
0x21: {  	v2 =	vadd.s32 $0xFFFFFF04, v2;
	v8 =	vmin.u32 v10, v8;
	v47 =	vsub.s32 $0x0, v13  }
0x22: {  	v10 =	vshrl.u32 v10, $0x1B;
	vm6 =	vlt.s32 v2, $0xF;
	v11 =	vcvt.s32.f32 v8  }
0x23: {  	vm11 =	vlt.u32 v8, $0x8;
	v10 =	vand.u32 $0x10, v10;
	v2 =	vnsel vm6, $0xF, v2  }
0x24: {  	v2 =	vsel vm7, v12, v2;
	v46 =	vand.u32 $0x7FFFFC, v11;
	v11 =	vshrl.u32 v11, $0x16  }
0x25: {  	v12 =	vmin.u32 v13, v47;
	v13 =	vshrl.u32 v13, $0x1B;
	vm8 =	vgt.u32 v46, $0x3504F3  }
0x26: {  	v11 =	vand.u32 $0x1FE, v11;
	v2 =	vadd.s32 v9, v2;
	v14 =	vsel vm8, $0x1, v6  }
0x27: {  	v9 =	vor.u32 v14, v11;
	v11 =	vcvt.s32.f32 v12;
	v14 =	vsub.s32 v5, v48  }
0x28: {  	vm14 =	vlt.u32 v12, $0x8;
	v9 =	vadd.s32 $0xFFFFFF04, v9;
	v49 =	vsub.s32 $0x0, v14  }
0x29: {  	vm9 =	vlt.s32 v9, $0xF;
	v15 =	vand.u32 $0x7FFFFC, v11;
	v11 =	vshrl.u32 v11, $0x16  }
0x2a: {  	v9 =	vnsel vm9, $0xF, v9;
	vm10 =	vgt.u32 v15, $0x3504F3;
	v15 =	vmin.u32 v14, v49  }
0x2b: {  	v11 =	vand.u32 $0x1FE, v11;
	v16 =	vsel vm10, $0x1, v6;
	v17 =	vcvt.s32.f32 v15  }
0x2c: {  	v8 =	vsel vm11, v8, v9;
	v9 =	vor.u32 v16, v11;
	v11 =	vmov s29  }
0x2d: {  	vm5 =	vlt.u32 v15, $0x8;
	vm11 =	vlt.u32 v54, $0x8;
	v11 =	vsub.s32 v5, v11  }
0x2e: {  	v9 =	vadd.s32 $0xFFFFFF04, v9;
	v50 =	vand.u32 $0x7FFFFC, v17;
	v51 =	vsub.s32 $0x0, v11  }
0x2f: {  	v17 =	vshrl.u32 v17, $0x16;
	vm12 =	vgt.u32 v50, $0x3504F3;
	v16 =	vmin.u32 v11, v51  }
0x30: {  	v17 =	vand.u32 $0x1FE, v17;
	vm13 =	vlt.s32 v9, $0xF;
	v52 =	vcvt.s32.f32 v16  }
0x31: {  	v18 =	vsel vm12, $0x1, v6;
	v9 =	vnsel vm13, $0xF, v9;
	v11 =	vshrl.u32 v11, $0x1B  }
0x32: {  	v17 =	vor.u32 v18, v17;
	v9 =	vsel vm14, v12, v9;
	v53 =	vand.u32 $0x7FFFFC, v52  }
0x33: {  	vm9 =	vlt.u32 v16, $0x8;
	v18 =	vshrl.u32 v52, $0x16;
	vm4 =	vgt.u32 v53, $0x3504F3  }
0x34: {  	v17 =	vadd.s32 $0xFFFFFF04, v17;
	v18 =	vand.u32 $0x1FE, v18;
	v12 =	vsel vm4, $0x1, v6  }
0x35: {  	v11 =	vand.u32 $0x10, v11;
	vm15 =	vlt.s32 v17, $0xF;
	v5 =	vor.u32 v12, v18  }
0x36: {  	v17 =	vnsel vm15, $0xF, v17;
	v18 =	vmin.u32 v20, v55;
	v56 =	vadd.s32 $0xFFFFFF04, v5  }
0x37: {  	v57 =	vcvt.s32.f32 v18;
	v5 =	vadd.s32 v10, v8;
	v10 =	vand.u32 $0x7FFFFC, v22  }
0x38: {  	vm14 =	vlt.s32 v61, $0xF;
	v15 =	vsel vm5, v15, v17;
	vm7 =	vgt.u32 v10, $0x3504F3  }
0x39: {  	vm13 =	vlt.u32 v18, $0x8;
	v10 =	vand.u32 $0x7FFFFC, v57;
	v59 =	vsel vm7, $0x1, v6  }
0x3a: {  	s6 =	rddreg [dreg:$0x0];
	v17 =	vshrl.u32 v57, $0x16;
	vm8 =	vgt.u32 v10, $0x3504F3;
	v10 =	vand.u32 $0x1FE, v58  }
0x3b: {  	s12 =	rddreg [dreg:$0x1];
	s5 =	simm.s32 $0x0;
	v17 =	vand.u32 $0x1FE, v17;
	v10 =	vor.u32 v59, v10;
	v6 =	vsel vm8, $0x1, v6  }
0x3c: {  	[smem:$0x7FF] =	sst s5;
	vm6 =	vlt.s32 v56, $0xF;
	v10 =	vadd.s32 $0xFFFFFF04, v10;
	v6 =	vor.u32 v6, v17  }
0x3d: {  	s4 =	rddreg [dreg:$0x2];
	_ =	strace $0x80000047;
	[tilespmem:$0x0] =	vst v0;
	v8 =	vnsel vm6, $0xF, v56;
	vm10 =	vlt.s32 v10, $0xF;
	v6 =	vadd.s32 $0xFFFFFF04, v6  }
0x3e: {  	[tilespmem:$0x20] =	vst v1;
	v8 =	vsel vm9, v16, v8;
	v10 =	vnsel vm10, $0xF, v10;
	vm12 =	vlt.s32 v6, $0xF  }
0x3f: {  	[tilespmem:$0x30] =	vst v2;
	v60 =	vnsel vm12, $0xF, v6;
	v6 =	vadd.s32 v11, v8;
	v11 =	vshrl.u32 v20, $0x1B  }
0x40: {  	[tilespmem:$0x40] =	vst v5;
	v10 =	vsel vm11, v54, v10;
	v8 =	vsel vm13, v18, v60;
	v7 =	vand.u32 $0x10, v11  }
0x41: {  	v11 =	vshrl.u32 v14, $0x1B;
	[tilespmem:$0xA0] =	vst v6;
	v7 =	vadd.s32 v7, v8;
	v8 =	vand.u32 $0x10, v62  }
0x42: {  	vm15 =	vlt.u32 v3, $0x8;
	v4 =	vand.u32 $0x10, v11;
	v8 =	vadd.s32 v8, v10;
	[tilespmem:$0xC0] =	vst v7  }
0x43: {  	v11 =	vand.u32 $0x10, v13;
	v10 =	vnsel vm14, $0xF, v61;
	v4 =	vadd.s32 v4, v15;
	[tilespmem:$0xB0] =	vst v8  }
0x44: {  	v12 =	vand.u32 $0x10, v63;
	v10 =	vsel vm15, v3, v10;
	v3 =	vadd.s32 v11, v9;
	[tilespmem:$0x90] =	vst v4  }
0x45: {  	v9 =	vadd.s32 v12, v10;
	[tilespmem:$0x80] =	vst v3  }
0x46: {  	s7 =	simm.s32 $0x50;
	s8 =	simm.s32 $0x100;
	s6 =	sadd.s32 $0x400, s6;
	[tilespmem:$0x10] =	vst v9  }
0x47: {  	[tilespmem:s8], [sflag:$0x1] =	stream.indirect.gather [hbm4b:s6+s7], $0x80, s5, s7, $0xb8;
	[tilespmem:$0x5100] =	vst v63  }
0x48: {  	s9 =	simm.s32 $0x80;
	s10 =	simm.s32 $0x2900;
	s11 =	simm.s32 $0x1  }
0x49: {  	[tilespmem:s10], [sflag:$0x1] =	stream.indirect.gather [hbm4b:s6+s7], $0x80, s9, s7, $0xb8;
	[tilespmem:$0x5100] =	vst v63  }
0x4a: {  	_ =	swait.ge [sflag:s11], $0x2800  }
0x4b: {  	[sflag:s11] =	ssyncset.done $0x0  }
0x4c: {  	s13 =	ssub.s32 $0x2, s1;
	[sflag:s11] =	ssyncadd.s32 $0xFFFFD800  }
0x4d: {  	s2 =	smul.u32 $0xA00, s2;
	s14 =	sshrl.u32 s13, $0x1;
	_ =	swait.ge [sflag:s11], $0x2800  }
0x4e: {  	s1 =	simm.s32 $0x2;
	s13 =	ssub.s32 s13, s14;
	[sflag:s11] =	ssyncset.done $0x0  }
0x4f: {  	s2 =	sadd.s32 s12, s2;
	s31 =	smax.u32 s13, $0x1;
	[sflag:s11] =	ssyncadd.s32 $0xFFFFD800  }
0x50: {  	[hbm4b:s2+s5] =	stream.linear.scatter [tilespmem:s8], [sflag:$0x2], $0x2800, $0x38;
	[tilespmem:$0x5100] =	vst v63  }
0x51: {  	p0 =	sne.s32 s31, $0x1;
	_ =	swait.ge [sflag:s1], $0x2800  }
.Ltmp0:
0x52: {  	s3 =	sshll.u32 s28, $0x4;
	[sflag:s1] =	ssyncset.done $0x0;
	(pc) =	sbr.rel @!p0 .LBB2_2-.Ltmp0, $4  }
0x53: {  	s3 =	sadd.s32 s12, s3;
	[sflag:s1] =	ssyncadd.s32 $0xFFFFD800  }
0x54: {  	[hbm4b:s3+s5] =	stream.linear.scatter [tilespmem:s10], [sflag:$0x2], $0x2800, $0x38;
	[tilespmem:$0x5100] =	vst v63  }
0x55: {  	_ =	swait.ge [sflag:s1], $0x2800  }
0x56: {  	s12 =	sadd.s32 $0xFFFFFFFF, s31;
	[sflag:s1] =	ssyncset.done $0x0  }
.LBB2_1:
0x57: {  	p0 =	sne.s32 s12, $0x1;
	s12 =	sadd.s32 $0xFFFFFFFF, s12;
	[sflag:s1] =	ssyncadd.s32 $0xFFFFD800  }
0x58: {  	[tilespmem:$0x20] =	vst v1  }
0x59: {  	[tilespmem:$0x30] =	vst v2  }
0x5a: {  	[tilespmem:$0x40] =	vst v5  }
0x5b: {  	[tilespmem:$0x0] =	vst v0  }
0x5c: {  	[tilespmem:$0xC0] =	vst v7  }
0x5d: {  	[tilespmem:$0xB0] =	vst v8  }
0x5e: {  	[tilespmem:$0xA0] =	vst v6  }
0x5f: {  	[tilespmem:$0x90] =	vst v4  }
0x60: {  	[tilespmem:$0x80] =	vst v3  }
0x61: {  	[tilespmem:$0x10] =	vst v9  }
0x62: {  	[tilespmem:s8], [sflag:$0x1] =	stream.indirect.gather [hbm4b:s6+s7], $0x80, s5, s7, $0xb8;
	[tilespmem:$0x5100] =	vst v63  }
0x63: {  	_ = 	snop  }
0x64: {  	[tilespmem:s10], [sflag:$0x1] =	stream.indirect.gather [hbm4b:s6+s7], $0x80, s9, s7, $0xb8;
	[tilespmem:$0x5100] =	vst v63  }
0x65: {  	_ =	swait.ge [sflag:s11], $0x2800  }
0x66: {  	[sflag:s11] =	ssyncset.done $0x0  }
0x67: {  	[sflag:s11] =	ssyncadd.s32 $0xFFFFD800  }
0x68: {  	_ =	swait.ge [sflag:s11], $0x2800  }
0x69: {  	[sflag:s11] =	ssyncset.done $0x0  }
0x6a: {  	[sflag:s11] =	ssyncadd.s32 $0xFFFFD800  }
0x6b: {  	[hbm4b:s2+s5] =	stream.linear.scatter [tilespmem:s8], [sflag:$0x2], $0x2800, $0x38;
	[tilespmem:$0x5100] =	vst v63  }
0x6c: {  	_ =	swait.ge [sflag:s1], $0x2800  }
.Ltmp1:
0x6d: {  	[sflag:s1] =	ssyncset.done $0x0;
	(pc) =	sbr.rel @p0 .LBB2_1-.Ltmp1, $4  }
0x6e: {  	[sflag:s1] =	ssyncadd.s32 $0xFFFFD800  }
0x6f: {  	[hbm4b:s3+s5] =	stream.linear.scatter [tilespmem:s10], [sflag:$0x2], $0x2800, $0x38;
	[tilespmem:$0x5100] =	vst v63  }
0x70: {  	_ =	swait.ge [sflag:s1], $0x2800  }
0x71: {  	[sflag:s1] =	ssyncset.done $0x0  }
.LBB2_2:
0x72: {  	[sflag:s1] =	ssyncadd.s32 $0xFFFFD800  }
0x73: {  	_ =	sfence.sel $0x180000  }
0x74: {  	[bflag:$0x0] =	sbarrier.arrive $0xFFFF  }
0x75: {  	p0 =	sne.s32 s0, $0x0;
	_ =	strace $0x90000047  }
0x76: {  	s0 =	sadd.s32 @!p0 $0x100000, s4;
	[bflag:$0x2] =	sbarrier.arrive $0xFFFF  }
0x77: {  	[sflag:s0] =	ssyncadd.tile.s32 @!p0 $0x1;
	_ =	shalt  }
.Lfunc_end2:
_tile_overlayer_lowered:
.L_overlay_start_2:
0x78: {  	(tag) =	ssettag $0x2  }
0x79: {  	s0 =	rddreg [dreg:$0x0];
	s2 =	stileid.u32  }
0x7a: {  	s1 =	rddreg [dreg:$0x1];
	p0 =	sne.s32 s2, $0x0  }
0x7b: {  	s3 =	rddreg [dreg:$0x2];
	[bflag:$0x3] =	sbarrier.arrive $0xFFFF;
	s2 =	simm.s32 @!p0 $0x1C02  }
0x7c: {  	[timem:s3], [sflag:s2] =	dma.local @!p0 [hbm:s0], s1  }
0x7d: {  	s0 =	simm.s32 @!p0 $0x2  }
0x7e: {  	_ =	swait.ge @!p0 [sflag:s0], s1  }
0x7f: {  	s1 =	ssub.s32 @!p0 $0x0, s1;
	[sflag:s0] =	ssyncset.done @!p0 $0x0  }
0x80: {  	[sflag:s0] =	ssyncadd.s32 @!p0 s1  }
0x81: {  	[bflag:$0x3] =	sbarrier.arrive $0xFFFF  }
0x82: {  	_ =	shalt  }

</sc_bundles>
